<compile_context>
chip_gen: v7x
topology: tpu7x:2x2x1
jax: 0.10.2.dev20260603
libtpu: 0.0.44.dev20260713+nightly
codegen_flags: <defaults>
</compile_context>

<pallas_src>
import functools

import jax
import jax.numpy as jnp
from jax import lax
from jax.experimental import pallas as pl
from jax.experimental.pallas import tpu as pltpu
from jax.experimental.pallas import tpu_sc as plsc

B = 16384
ED = 256
HD = 512
TB = 2048
G = B // TB

_info = plsc.get_sparse_core_info()
_NC, _NS, _L = _info.num_cores, _info.num_subcores, _info.num_lanes
_NW = _NC * _NS
_RPW = B // _NW
_NB = _RPW // _L


@functools.partial(
    pl.kernel,
    out_type=jax.ShapeDtypeStruct((16, B), jnp.float32),
    mesh=plsc.VectorSubcoreMesh(core_axis_name="c", subcore_axis_name="s"),
    scratch_types=[
        pltpu.VMEM((_RPW,), jnp.int32),
        pltpu.VMEM((_RPW,), jnp.int32),
        pltpu.VMEM((16 * _RPW,), jnp.float32),
    ],
)
def _sc_onehot(sids_hbm, nids_hbm, out_hbm, sid_v, nid_v, oht_v):
    wid = lax.axis_index("s") * _NC + lax.axis_index("c")
    base = wid * _RPW
    pltpu.sync_copy(sids_hbm.at[pl.ds(base, _RPW)], sid_v)
    pltpu.sync_copy(nids_hbm.at[pl.ds(base, _RPW)], nid_v)

    ones = jnp.ones((16,), jnp.float32)

    def body(j, carry):
        for u in range(4):
            sv = sid_v[pl.ds(j * 64 + u * 16, 16)]
            nv = nid_v[pl.ds(j * 64 + u * 16, 16)] + 10
            for l in range(15):
                col = jnp.where((sv == l) | (nv == l), 1.0, 0.0)
                oht_v[pl.ds(l * _RPW + j * 64 + u * 16, 16)] = col.astype(jnp.float32)
            oht_v[pl.ds(15 * _RPW + j * 64 + u * 16, 16)] = ones
        return carry

    lax.fori_loop(0, _NB // 4, body, 0)
    for l in range(16):
        pltpu.sync_copy(oht_v.at[pl.ds(l * _RPW, _RPW)],
                        out_hbm.at[l, pl.ds(base, _RPW)])


def _gelu(x):
    return 0.5 * x * (1.0 + lax.erf(x * 0.7071067811865476))


def _fused_body(oht_ref, hp_ref, st_ref, nt_ref, w1_ref, b1_ref,
                w2_ref, b2_ref, w3_ref, b3_ref, w4_ref, b4_ref, out_ref,
                cproj_ref):
    f32 = jnp.float32

    @pl.when(pl.program_id(0) == 0)
    def _():
        cproj_ref[0:10, :] = jnp.dot(st_ref[...], w3_ref[0:ED, :],
                                     preferred_element_type=f32)
        cproj_ref[10:15, :] = jnp.dot(nt_ref[...], w3_ref[ED + ED // 2:, :],
                                      preferred_element_type=f32)
        cproj_ref[15:16, :] = b3_ref[...]

    emb = lax.dot_general(oht_ref[...], cproj_ref[...],
                          (((0,), (0,)), ((), ())),
                          preferred_element_type=f32)

    h1 = _gelu(jnp.dot(hp_ref[...], w1_ref[...], preferred_element_type=f32)
               + b1_ref[0, :])
    hemb = jnp.dot(h1, w2_ref[...], preferred_element_type=f32) + b2_ref[0, :]

    pre = emb + jnp.dot(hemb, w3_ref[ED:ED + ED // 2, :],
                        preferred_element_type=f32)
    h = _gelu(pre)
    out_ref[...] = jnp.dot(h, w4_ref[...], preferred_element_type=f32) + b4_ref[0, :]


@jax.jit
def kernel(stage_ids, health_features, network_status, stage_table, net_table,
           W1, b1, W2, b2, W3, b3, W4, b4):
    oht = _sc_onehot(stage_ids, network_status)

    grid_spec = pl.GridSpec(
        grid=(G,),
        scratch_shapes=[pltpu.VMEM((16, HD), jnp.float32)],
        in_specs=[
            pl.BlockSpec((16, TB), lambda i: (0, i)),
            pl.BlockSpec((TB, 6), lambda i: (i, 0)),
            pl.BlockSpec((10, ED), lambda i: (0, 0)),
            pl.BlockSpec((5, ED // 4), lambda i: (0, 0)),
            pl.BlockSpec((6, ED // 2), lambda i: (0, 0)),
            pl.BlockSpec((1, ED // 2), lambda i: (0, 0)),
            pl.BlockSpec((ED // 2, ED // 2), lambda i: (0, 0)),
            pl.BlockSpec((1, ED // 2), lambda i: (0, 0)),
            pl.BlockSpec((ED + ED // 2 + ED // 4, HD), lambda i: (0, 0)),
            pl.BlockSpec((1, HD), lambda i: (0, 0)),
            pl.BlockSpec((HD, HD), lambda i: (0, 0)),
            pl.BlockSpec((1, HD), lambda i: (0, 0)),
        ],
        out_specs=pl.BlockSpec((TB, HD), lambda i: (i, 0)),
    )
    return pl.pallas_call(
        _fused_body,
        grid_spec=grid_spec,
        out_shape=jax.ShapeDtypeStruct((B, HD), jnp.float32),
        compiler_params=pltpu.CompilerParams(
            dimension_semantics=("parallel",)),
    )(oht, health_features, stage_table, net_table, W1, b1.reshape(1, -1),
      W2, b2.reshape(1, -1), W3, b3.reshape(1, -1), W4, b4.reshape(1, -1))

# --- scband reference (transcript-rebuilt; emitter-appended) ---
"""Pipeline reference for scband-lifecycle-stage-encoder-67216238182561 (READ-ONLY COPY).

The authoritative reference and input builder live on the scoring server;
editing this copy changes nothing except your own understanding.
"""

import jax, jax.numpy as jnp
import numpy as np

B = 16384
ED = 256
HD = 512


def setup_inputs(seed: int = 0) -> dict:
    key = jax.random.key(seed)
    ks = jax.random.split(key, 16)
    s = 0.02
    return {
        "stage_ids": jax.random.randint(ks[0], (B,), 0, 10, dtype=jnp.int32),
        "health_features": jax.random.normal(ks[1], (B, 6), dtype=jnp.float32),
        "network_status": jax.random.randint(ks[2], (B,), 0, 5, dtype=jnp.int32),
        "stage_table": jax.random.normal(ks[3], (10, ED), dtype=jnp.float32) * s,
        "net_table": jax.random.normal(ks[4], (5, ED // 4), dtype=jnp.float32) * s,
        "W1": jax.random.normal(ks[5], (6, ED // 2), dtype=jnp.float32) * s,
        "b1": jnp.zeros((ED // 2,), dtype=jnp.float32),
        "W2": jax.random.normal(ks[6], (ED // 2, ED // 2), dtype=jnp.float32) * s,
        "b2": jnp.zeros((ED // 2,), dtype=jnp.float32),
        "W3": jax.random.normal(ks[7], (ED + ED // 2 + ED // 4, HD), dtype=jnp.float32) * s,
        "b3": jnp.zeros((HD,), dtype=jnp.float32),
        "W4": jax.random.normal(ks[8], (HD, HD), dtype=jnp.float32) * s,
        "b4": jnp.zeros((HD,), dtype=jnp.float32),
    }


def reference(stage_ids, health_features, network_status, stage_table, net_table, W1, b1, W2, b2, W3, b3, W4, b4):
    gelu = lambda x: jax.nn.gelu(x, approximate=False)
    # embedding lookups
    stage_emb = jnp.take(stage_table, stage_ids, axis=0)
    net_emb = jnp.take(net_table, network_status, axis=0)
    # health encoder MLP
    health_emb = gelu(health_features @ W1 + b1) @ W2 + b2
    # fuse (dropout is identity in eval mode)
    combined = jnp.concatenate([stage_emb, health_emb, net_emb], axis=-1)
    h = gelu(combined @ W3 + b3)
    return h @ W4 + b4

if __name__ == "__main__":
    import jax
    _d = setup_inputs()
    print(jax.jit(kernel)(*tuple(_d.values())))

</pallas_src>

<mosaic_0001>
#map = affine_map<(d0, d1) -> (0)>
#map1 = affine_map<(d0, d1) -> (0, 0)>
module attributes {stable_mosaic.version = 14 : i64} {
  func.func @_sc_onehot(%arg0: i32, %arg1: i32, %arg2: memref<16384xi32, #tpu.memory_space<hbm>>, %arg3: memref<16384xi32, #tpu.memory_space<hbm>>, %arg4: memref<16x16384xf32, #tpu.memory_space<hbm>>, %arg5: memref<512xi32, #tpu.memory_space<vmem>>, %arg6: memref<512xi32, #tpu.memory_space<vmem>>, %arg7: memref<8192xf32, #tpu.memory_space<vmem>>) attributes {dimension_semantics = [#tpu.dimension_semantics<core_parallel>, #tpu.dimension_semantics<subcore_parallel>], iteration_bounds = array<i64: 2, 16>, scalar_prefetch = 0 : i64, scratch_operands = 3 : i64, tpu.core_type = #tpu.core_type<sc_vector_subcore>, window_params = [{transform_indices = #map}, {transform_indices = #map}, {transform_indices = #map1}]} {
    %mul3A = arith.constant 2 : i32
    %mul3A_0 = arith.muli %arg1, %mul3A : i32
    %add3A = arith.addi %mul3A_0, %arg0 : i32
    %mul3A_1 = arith.constant 512 : i32
    %mul3A_2 = arith.muli %add3A, %mul3A_1 : i32
    "tpu.region"() ({
      %run_scoped3A_24 = tpu.sem_alloc : memref<!tpu.dma_semaphore, #tpu.memory_space<semaphore_mem>>
      %dma_start3A = tpu.memref_slice %arg2[%mul3A_2] : memref<16384xi32, #tpu.memory_space<hbm>> -> memref<512xi32, #tpu.memory_space<hbm>>
      %dma_start3A_25 = tpu.memref_slice %arg2[%mul3A_2] : memref<16384xi32, #tpu.memory_space<hbm>> -> memref<512xi32, #tpu.memory_space<hbm>>
      tpu.enqueue_dma source(%dma_start3A_25 : memref<512xi32, #tpu.memory_space<hbm>>) target(%arg5 : memref<512xi32, #tpu.memory_space<vmem>>) target_semaphore(%run_scoped3A_24 : memref<!tpu.dma_semaphore, #tpu.memory_space<semaphore_mem>>)
      %dma_wait3A = tpu.memref_slice %arg2[%mul3A_2] : memref<16384xi32, #tpu.memory_space<hbm>> -> memref<512xi32, #tpu.memory_space<hbm>>
      %dma_wait3A_26 = tpu.memref_slice %arg2[%mul3A_2] : memref<16384xi32, #tpu.memory_space<hbm>> -> memref<512xi32, #tpu.memory_space<hbm>>
      tpu.wait_dma2 semaphore(%run_scoped3A_24 : memref<!tpu.dma_semaphore, #tpu.memory_space<semaphore_mem>>) src(%dma_wait3A_26 : memref<512xi32, #tpu.memory_space<hbm>>) dst(%arg5 : memref<512xi32, #tpu.memory_space<vmem>>)
      tpu.yield
    }) : () -> ()
    "tpu.region"() ({
      %run_scoped3A_24 = tpu.sem_alloc : memref<!tpu.dma_semaphore, #tpu.memory_space<semaphore_mem>>
      %dma_start3A = tpu.memref_slice %arg3[%mul3A_2] : memref<16384xi32, #tpu.memory_space<hbm>> -> memref<512xi32, #tpu.memory_space<hbm>>
      %dma_start3A_25 = tpu.memref_slice %arg3[%mul3A_2] : memref<16384xi32, #tpu.memory_space<hbm>> -> memref<512xi32, #tpu.memory_space<hbm>>
      tpu.enqueue_dma source(%dma_start3A_25 : memref<512xi32, #tpu.memory_space<hbm>>) target(%arg6 : memref<512xi32, #tpu.memory_space<vmem>>) target_semaphore(%run_scoped3A_24 : memref<!tpu.dma_semaphore, #tpu.memory_space<semaphore_mem>>)
      %dma_wait3A = tpu.memref_slice %arg3[%mul3A_2] : memref<16384xi32, #tpu.memory_space<hbm>> -> memref<512xi32, #tpu.memory_space<hbm>>
      %dma_wait3A_26 = tpu.memref_slice %arg3[%mul3A_2] : memref<16384xi32, #tpu.memory_space<hbm>> -> memref<512xi32, #tpu.memory_space<hbm>>
      tpu.wait_dma2 semaphore(%run_scoped3A_24 : memref<!tpu.dma_semaphore, #tpu.memory_space<semaphore_mem>>) src(%dma_wait3A_26 : memref<512xi32, #tpu.memory_space<hbm>>) dst(%arg6 : memref<512xi32, #tpu.memory_space<vmem>>)
      tpu.yield
    }) : () -> ()
    %broadcast_in_dim3A = arith.constant 1.000000e+00 : f32
    %broadcast_in_dim3A_3 = vector.broadcast %broadcast_in_dim3A : f32 to vector<16xf32>
    %scan3A = arith.constant 0 : i32
    %scan3A_4 = arith.constant 0 : i32
    %scan3A_5 = arith.constant 8 : i32
    %scan3A_6 = arith.addi %scan3A_4, %scan3A_5 : i32
    %scan3A_7 = arith.constant 1 : i32
    scf.for %scan3A_24 = %scan3A_4 to %scan3A_6 step %scan3A_7  : i32 {
      %mul3A_25 = arith.constant 64 : i32
      %mul3A_26 = arith.muli %scan3A_24, %mul3A_25 : i32
      %add3A_27 = arith.constant 0 : i32
      %add3A_28 = arith.addi %mul3A_26, %add3A_27 : i32
      %get3A = arith.index_cast %add3A_28 : i32 to index
      %get3A_29 = tpu.vector_load %arg5[%get3A] {strides = array<i32>} : memref<512xi32, #tpu.memory_space<vmem>>, vector<16xi32>,
      %get3A_30 = vector.shape_cast %get3A_29 : vector<16xi32> to vector<16xi32>
      %mul3A_31 = arith.constant 64 : i32
      %mul3A_32 = arith.muli %scan3A_24, %mul3A_31 : i32
      %add3A_33 = arith.constant 0 : i32
      %add3A_34 = arith.addi %mul3A_32, %add3A_33 : i32
      %get3A_35 = arith.index_cast %add3A_34 : i32 to index
      %get3A_36 = tpu.vector_load %arg6[%get3A_35] {strides = array<i32>} : memref<512xi32, #tpu.memory_space<vmem>>, vector<16xi32>,
      %get3A_37 = vector.shape_cast %get3A_36 : vector<16xi32> to vector<16xi32>
      %add3A_38 = arith.constant 10 : i32
      %add3A_39 = vector.broadcast %add3A_38 : i32 to vector<16xi32>
      %add3A_40 = arith.addi %get3A_37, %add3A_39 : vector<16xi32>
      %eq3A = arith.constant 0 : i32
      %eq3A_41 = vector.broadcast %eq3A : i32 to vector<16xi32>
      %eq3A_42 = arith.cmpi eq, %get3A_30, %eq3A_41 : vector<16xi32>
      %eq3A_43 = arith.constant 0 : i32
      %eq3A_44 = vector.broadcast %eq3A_43 : i32 to vector<16xi32>
      %eq3A_45 = arith.cmpi eq, %add3A_40, %eq3A_44 : vector<16xi32>
      %or3A = arith.ori %eq3A_42, %eq3A_45 : vector<16xi1>
      %jit3A = arith.constant 1.000000e+00 : f32
      %jit3A_46 = arith.constant 0.000000e+00 : f32
      %broadcast_in_dim3A_47 = vector.broadcast %jit3A : f32 to vector<16xf32>
      %broadcast_in_dim3A_48 = vector.broadcast %jit3A_46 : f32 to vector<16xf32>
      %select_n3A = arith.select %or3A, %broadcast_in_dim3A_47, %broadcast_in_dim3A_48 : vector<16xi1>, vector<16xf32>
      %mul3A_49 = arith.constant 64 : i32
      %mul3A_50 = arith.muli %scan3A_24, %mul3A_49 : i32
      %add3A_51 = arith.constant 0 : i32
      %add3A_52 = arith.addi %add3A_51, %mul3A_50 : i32
      %add3A_53 = arith.constant 0 : i32
      %add3A_54 = arith.addi %add3A_52, %add3A_53 : i32
      %swap3A = arith.index_cast %add3A_54 : i32 to index
      %swap3A_55 = tpu.vector_load %arg7[%swap3A] {strides = array<i32>} : memref<8192xf32, #tpu.memory_space<vmem>>, vector<16xf32>,
      %swap3A_56 = vector.shape_cast %swap3A_55 : vector<16xf32> to vector<16xf32>
      %swap3A_57 = vector.shape_cast %select_n3A : vector<16xf32> to vector<16xf32>
      tpu.vector_store %arg7[%swap3A], %swap3A_57 {strides = array<i32>} : memref<8192xf32, #tpu.memory_space<vmem>>, vector<16xf32>,
      %eq3A_58 = arith.constant 1 : i32
      %eq3A_59 = vector.broadcast %eq3A_58 : i32 to vector<16xi32>
      %eq3A_60 = arith.cmpi eq, %get3A_30, %eq3A_59 : vector<16xi32>
      %eq3A_61 = arith.constant 1 : i32
      %eq3A_62 = vector.broadcast %eq3A_61 : i32 to vector<16xi32>
      %eq3A_63 = arith.cmpi eq, %add3A_40, %eq3A_62 : vector<16xi32>
      %or3A_64 = arith.ori %eq3A_60, %eq3A_63 : vector<16xi1>
      %jit3A_65 = arith.constant 1.000000e+00 : f32
      %jit3A_66 = arith.constant 0.000000e+00 : f32
      %broadcast_in_dim3A_67 = vector.broadcast %jit3A_65 : f32 to vector<16xf32>
      %broadcast_in_dim3A_68 = vector.broadcast %jit3A_66 : f32 to vector<16xf32>
      %select_n3A_69 = arith.select %or3A_64, %broadcast_in_dim3A_67, %broadcast_in_dim3A_68 : vector<16xi1>, vector<16xf32>
      %mul3A_70 = arith.constant 64 : i32
      %mul3A_71 = arith.muli %scan3A_24, %mul3A_70 : i32
      %add3A_72 = arith.constant 512 : i32
      %add3A_73 = arith.addi %add3A_72, %mul3A_71 : i32
      %add3A_74 = arith.constant 0 : i32
      %add3A_75 = arith.addi %add3A_73, %add3A_74 : i32
      %swap3A_76 = arith.index_cast %add3A_75 : i32 to index
      %swap3A_77 = tpu.vector_load %arg7[%swap3A_76] {strides = array<i32>} : memref<8192xf32, #tpu.memory_space<vmem>>, vector<16xf32>,
      %swap3A_78 = vector.shape_cast %swap3A_77 : vector<16xf32> to vector<16xf32>
      %swap3A_79 = vector.shape_cast %select_n3A_69 : vector<16xf32> to vector<16xf32>
      tpu.vector_store %arg7[%swap3A_76], %swap3A_79 {strides = array<i32>} : memref<8192xf32, #tpu.memory_space<vmem>>, vector<16xf32>,
      %eq3A_80 = arith.constant 2 : i32
      %eq3A_81 = vector.broadcast %eq3A_80 : i32 to vector<16xi32>
      %eq3A_82 = arith.cmpi eq, %get3A_30, %eq3A_81 : vector<16xi32>
      %eq3A_83 = arith.constant 2 : i32
      %eq3A_84 = vector.broadcast %eq3A_83 : i32 to vector<16xi32>
      %eq3A_85 = arith.cmpi eq, %add3A_40, %eq3A_84 : vector<16xi32>
      %or3A_86 = arith.ori %eq3A_82, %eq3A_85 : vector<16xi1>
      %jit3A_87 = arith.constant 1.000000e+00 : f32
      %jit3A_88 = arith.constant 0.000000e+00 : f32
      %broadcast_in_dim3A_89 = vector.broadcast %jit3A_87 : f32 to vector<16xf32>
      %broadcast_in_dim3A_90 = vector.broadcast %jit3A_88 : f32 to vector<16xf32>
      %select_n3A_91 = arith.select %or3A_86, %broadcast_in_dim3A_89, %broadcast_in_dim3A_90 : vector<16xi1>, vector<16xf32>
      %mul3A_92 = arith.constant 64 : i32
      %mul3A_93 = arith.muli %scan3A_24, %mul3A_92 : i32
      %add3A_94 = arith.constant 1024 : i32
      %add3A_95 = arith.addi %add3A_94, %mul3A_93 : i32
      %add3A_96 = arith.constant 0 : i32
      %add3A_97 = arith.addi %add3A_95, %add3A_96 : i32
      %swap3A_98 = arith.index_cast %add3A_97 : i32 to index
      %swap3A_99 = tpu.vector_load %arg7[%swap3A_98] {strides = array<i32>} : memref<8192xf32, #tpu.memory_space<vmem>>, vector<16xf32>,
      %swap3A_100 = vector.shape_cast %swap3A_99 : vector<16xf32> to vector<16xf32>
      %swap3A_101 = vector.shape_cast %select_n3A_91 : vector<16xf32> to vector<16xf32>
      tpu.vector_store %arg7[%swap3A_98], %swap3A_101 {strides = array<i32>} : memref<8192xf32, #tpu.memory_space<vmem>>, vector<16xf32>,
      %eq3A_102 = arith.constant 3 : i32
      %eq3A_103 = vector.broadcast %eq3A_102 : i32 to vector<16xi32>
      %eq3A_104 = arith.cmpi eq, %get3A_30, %eq3A_103 : vector<16xi32>
      %eq3A_105 = arith.constant 3 : i32
      %eq3A_106 = vector.broadcast %eq3A_105 : i32 to vector<16xi32>
      %eq3A_107 = arith.cmpi eq, %add3A_40, %eq3A_106 : vector<16xi32>
      %or3A_108 = arith.ori %eq3A_104, %eq3A_107 : vector<16xi1>
      %jit3A_109 = arith.constant 1.000000e+00 : f32
      %jit3A_110 = arith.constant 0.000000e+00 : f32
      %broadcast_in_dim3A_111 = vector.broadcast %jit3A_109 : f32 to vector<16xf32>
      %broadcast_in_dim3A_112 = vector.broadcast %jit3A_110 : f32 to vector<16xf32>
      %select_n3A_113 = arith.select %or3A_108, %broadcast_in_dim3A_111, %broadcast_in_dim3A_112 : vector<16xi1>, vector<16xf32>
      %mul3A_114 = arith.constant 64 : i32
      %mul3A_115 = arith.muli %scan3A_24, %mul3A_114 : i32
      %add3A_116 = arith.constant 1536 : i32
      %add3A_117 = arith.addi %add3A_116, %mul3A_115 : i32
      %add3A_118 = arith.constant 0 : i32
      %add3A_119 = arith.addi %add3A_117, %add3A_118 : i32
      %swap3A_120 = arith.index_cast %add3A_119 : i32 to index
      %swap3A_121 = tpu.vector_load %arg7[%swap3A_120] {strides = array<i32>} : memref<8192xf32, #tpu.memory_space<vmem>>, vector<16xf32>,
      %swap3A_122 = vector.shape_cast %swap3A_121 : vector<16xf32> to vector<16xf32>
      %swap3A_123 = vector.shape_cast %select_n3A_113 : vector<16xf32> to vector<16xf32>
      tpu.vector_store %arg7[%swap3A_120], %swap3A_123 {strides = array<i32>} : memref<8192xf32, #tpu.memory_space<vmem>>, vector<16xf32>,
      %eq3A_124 = arith.constant 4 : i32
      %eq3A_125 = vector.broadcast %eq3A_124 : i32 to vector<16xi32>
      %eq3A_126 = arith.cmpi eq, %get3A_30, %eq3A_125 : vector<16xi32>
      %eq3A_127 = arith.constant 4 : i32
      %eq3A_128 = vector.broadcast %eq3A_127 : i32 to vector<16xi32>
      %eq3A_129 = arith.cmpi eq, %add3A_40, %eq3A_128 : vector<16xi32>
      %or3A_130 = arith.ori %eq3A_126, %eq3A_129 : vector<16xi1>
      %jit3A_131 = arith.constant 1.000000e+00 : f32
      %jit3A_132 = arith.constant 0.000000e+00 : f32
      %broadcast_in_dim3A_133 = vector.broadcast %jit3A_131 : f32 to vector<16xf32>
      %broadcast_in_dim3A_134 = vector.broadcast %jit3A_132 : f32 to vector<16xf32>
      %select_n3A_135 = arith.select %or3A_130, %broadcast_in_dim3A_133, %broadcast_in_dim3A_134 : vector<16xi1>, vector<16xf32>
      %mul3A_136 = arith.constant 64 : i32
      %mul3A_137 = arith.muli %scan3A_24, %mul3A_136 : i32
      %add3A_138 = arith.constant 2048 : i32
      %add3A_139 = arith.addi %add3A_138, %mul3A_137 : i32
      %add3A_140 = arith.constant 0 : i32
      %add3A_141 = arith.addi %add3A_139, %add3A_140 : i32
      %swap3A_142 = arith.index_cast %add3A_141 : i32 to index
      %swap3A_143 = tpu.vector_load %arg7[%swap3A_142] {strides = array<i32>} : memref<8192xf32, #tpu.memory_space<vmem>>, vector<16xf32>,
      %swap3A_144 = vector.shape_cast %swap3A_143 : vector<16xf32> to vector<16xf32>
      %swap3A_145 = vector.shape_cast %select_n3A_135 : vector<16xf32> to vector<16xf32>
      tpu.vector_store %arg7[%swap3A_142], %swap3A_145 {strides = array<i32>} : memref<8192xf32, #tpu.memory_space<vmem>>, vector<16xf32>,
      %eq3A_146 = arith.constant 5 : i32
      %eq3A_147 = vector.broadcast %eq3A_146 : i32 to vector<16xi32>
      %eq3A_148 = arith.cmpi eq, %get3A_30, %eq3A_147 : vector<16xi32>
      %eq3A_149 = arith.constant 5 : i32
      %eq3A_150 = vector.broadcast %eq3A_149 : i32 to vector<16xi32>
      %eq3A_151 = arith.cmpi eq, %add3A_40, %eq3A_150 : vector<16xi32>
      %or3A_152 = arith.ori %eq3A_148, %eq3A_151 : vector<16xi1>
      %jit3A_153 = arith.constant 1.000000e+00 : f32
      %jit3A_154 = arith.constant 0.000000e+00 : f32
      %broadcast_in_dim3A_155 = vector.broadcast %jit3A_153 : f32 to vector<16xf32>
      %broadcast_in_dim3A_156 = vector.broadcast %jit3A_154 : f32 to vector<16xf32>
      %select_n3A_157 = arith.select %or3A_152, %broadcast_in_dim3A_155, %broadcast_in_dim3A_156 : vector<16xi1>, vector<16xf32>
      %mul3A_158 = arith.constant 64 : i32
      %mul3A_159 = arith.muli %scan3A_24, %mul3A_158 : i32
      %add3A_160 = arith.constant 2560 : i32
      %add3A_161 = arith.addi %add3A_160, %mul3A_159 : i32
      %add3A_162 = arith.constant 0 : i32
      %add3A_163 = arith.addi %add3A_161, %add3A_162 : i32
      %swap3A_164 = arith.index_cast %add3A_163 : i32 to index
      %swap3A_165 = tpu.vector_load %arg7[%swap3A_164] {strides = array<i32>} : memref<8192xf32, #tpu.memory_space<vmem>>, vector<16xf32>,
      %swap3A_166 = vector.shape_cast %swap3A_165 : vector<16xf32> to vector<16xf32>
      %swap3A_167 = vector.shape_cast %select_n3A_157 : vector<16xf32> to vector<16xf32>
      tpu.vector_store %arg7[%swap3A_164], %swap3A_167 {strides = array<i32>} : memref<8192xf32, #tpu.memory_space<vmem>>, vector<16xf32>,
      %eq3A_168 = arith.constant 6 : i32
      %eq3A_169 = vector.broadcast %eq3A_168 : i32 to vector<16xi32>
      %eq3A_170 = arith.cmpi eq, %get3A_30, %eq3A_169 : vector<16xi32>
      %eq3A_171 = arith.constant 6 : i32
      %eq3A_172 = vector.broadcast %eq3A_171 : i32 to vector<16xi32>
      %eq3A_173 = arith.cmpi eq, %add3A_40, %eq3A_172 : vector<16xi32>
      %or3A_174 = arith.ori %eq3A_170, %eq3A_173 : vector<16xi1>
      %jit3A_175 = arith.constant 1.000000e+00 : f32
      %jit3A_176 = arith.constant 0.000000e+00 : f32
      %broadcast_in_dim3A_177 = vector.broadcast %jit3A_175 : f32 to vector<16xf32>
      %broadcast_in_dim3A_178 = vector.broadcast %jit3A_176 : f32 to vector<16xf32>
      %select_n3A_179 = arith.select %or3A_174, %broadcast_in_dim3A_177, %broadcast_in_dim3A_178 : vector<16xi1>, vector<16xf32>
      %mul3A_180 = arith.constant 64 : i32
      %mul3A_181 = arith.muli %scan3A_24, %mul3A_180 : i32
      %add3A_182 = arith.constant 3072 : i32
      %add3A_183 = arith.addi %add3A_182, %mul3A_181 : i32
      %add3A_184 = arith.constant 0 : i32
      %add3A_185 = arith.addi %add3A_183, %add3A_184 : i32
      %swap3A_186 = arith.index_cast %add3A_185 : i32 to index
      %swap3A_187 = tpu.vector_load %arg7[%swap3A_186] {strides = array<i32>} : memref<8192xf32, #tpu.memory_space<vmem>>, vector<16xf32>,
      %swap3A_188 = vector.shape_cast %swap3A_187 : vector<16xf32> to vector<16xf32>
      %swap3A_189 = vector.shape_cast %select_n3A_179 : vector<16xf32> to vector<16xf32>
      tpu.vector_store %arg7[%swap3A_186], %swap3A_189 {strides = array<i32>} : memref<8192xf32, #tpu.memory_space<vmem>>, vector<16xf32>,
      %eq3A_190 = arith.constant 7 : i32
      %eq3A_191 = vector.broadcast %eq3A_190 : i32 to vector<16xi32>
      %eq3A_192 = arith.cmpi eq, %get3A_30, %eq3A_191 : vector<16xi32>
      %eq3A_193 = arith.constant 7 : i32
      %eq3A_194 = vector.broadcast %eq3A_193 : i32 to vector<16xi32>
      %eq3A_195 = arith.cmpi eq, %add3A_40, %eq3A_194 : vector<16xi32>
      %or3A_196 = arith.ori %eq3A_192, %eq3A_195 : vector<16xi1>
      %jit3A_197 = arith.constant 1.000000e+00 : f32
      %jit3A_198 = arith.constant 0.000000e+00 : f32
      %broadcast_in_dim3A_199 = vector.broadcast %jit3A_197 : f32 to vector<16xf32>
      %broadcast_in_dim3A_200 = vector.broadcast %jit3A_198 : f32 to vector<16xf32>
      %select_n3A_201 = arith.select %or3A_196, %broadcast_in_dim3A_199, %broadcast_in_dim3A_200 : vector<16xi1>, vector<16xf32>
      %mul3A_202 = arith.constant 64 : i32
      %mul3A_203 = arith.muli %scan3A_24, %mul3A_202 : i32
      %add3A_204 = arith.constant 3584 : i32
      %add3A_205 = arith.addi %add3A_204, %mul3A_203 : i32
      %add3A_206 = arith.constant 0 : i32
      %add3A_207 = arith.addi %add3A_205, %add3A_206 : i32
      %swap3A_208 = arith.index_cast %add3A_207 : i32 to index
      %swap3A_209 = tpu.vector_load %arg7[%swap3A_208] {strides = array<i32>} : memref<8192xf32, #tpu.memory_space<vmem>>, vector<16xf32>,
      %swap3A_210 = vector.shape_cast %swap3A_209 : vector<16xf32> to vector<16xf32>
      %swap3A_211 = vector.shape_cast %select_n3A_201 : vector<16xf32> to vector<16xf32>
      tpu.vector_store %arg7[%swap3A_208], %swap3A_211 {strides = array<i32>} : memref<8192xf32, #tpu.memory_space<vmem>>, vector<16xf32>,
      %eq3A_212 = arith.constant 8 : i32
      %eq3A_213 = vector.broadcast %eq3A_212 : i32 to vector<16xi32>
      %eq3A_214 = arith.cmpi eq, %get3A_30, %eq3A_213 : vector<16xi32>
      %eq3A_215 = arith.constant 8 : i32
      %eq3A_216 = vector.broadcast %eq3A_215 : i32 to vector<16xi32>
      %eq3A_217 = arith.cmpi eq, %add3A_40, %eq3A_216 : vector<16xi32>
      %or3A_218 = arith.ori %eq3A_214, %eq3A_217 : vector<16xi1>
      %jit3A_219 = arith.constant 1.000000e+00 : f32
      %jit3A_220 = arith.constant 0.000000e+00 : f32
      %broadcast_in_dim3A_221 = vector.broadcast %jit3A_219 : f32 to vector<16xf32>
      %broadcast_in_dim3A_222 = vector.broadcast %jit3A_220 : f32 to vector<16xf32>
      %select_n3A_223 = arith.select %or3A_218, %broadcast_in_dim3A_221, %broadcast_in_dim3A_222 : vector<16xi1>, vector<16xf32>
      %mul3A_224 = arith.constant 64 : i32
      %mul3A_225 = arith.muli %scan3A_24, %mul3A_224 : i32
      %add3A_226 = arith.constant 4096 : i32
      %add3A_227 = arith.addi %add3A_226, %mul3A_225 : i32
      %add3A_228 = arith.constant 0 : i32
      %add3A_229 = arith.addi %add3A_227, %add3A_228 : i32
      %swap3A_230 = arith.index_cast %add3A_229 : i32 to index
      %swap3A_231 = tpu.vector_load %arg7[%swap3A_230] {strides = array<i32>} : memref<8192xf32, #tpu.memory_space<vmem>>, vector<16xf32>,
      %swap3A_232 = vector.shape_cast %swap3A_231 : vector<16xf32> to vector<16xf32>
      %swap3A_233 = vector.shape_cast %select_n3A_223 : vector<16xf32> to vector<16xf32>
      tpu.vector_store %arg7[%swap3A_230], %swap3A_233 {strides = array<i32>} : memref<8192xf32, #tpu.memory_space<vmem>>, vector<16xf32>,
      %eq3A_234 = arith.constant 9 : i32
      %eq3A_235 = vector.broadcast %eq3A_234 : i32 to vector<16xi32>
      %eq3A_236 = arith.cmpi eq, %get3A_30, %eq3A_235 : vector<16xi32>
      %eq3A_237 = arith.constant 9 : i32
      %eq3A_238 = vector.broadcast %eq3A_237 : i32 to vector<16xi32>
      %eq3A_239 = arith.cmpi eq, %add3A_40, %eq3A_238 : vector<16xi32>
      %or3A_240 = arith.ori %eq3A_236, %eq3A_239 : vector<16xi1>
      %jit3A_241 = arith.constant 1.000000e+00 : f32
      %jit3A_242 = arith.constant 0.000000e+00 : f32
      %broadcast_in_dim3A_243 = vector.broadcast %jit3A_241 : f32 to vector<16xf32>
      %broadcast_in_dim3A_244 = vector.broadcast %jit3A_242 : f32 to vector<16xf32>
      %select_n3A_245 = arith.select %or3A_240, %broadcast_in_dim3A_243, %broadcast_in_dim3A_244 : vector<16xi1>, vector<16xf32>
      %mul3A_246 = arith.constant 64 : i32
      %mul3A_247 = arith.muli %scan3A_24, %mul3A_246 : i32
      %add3A_248 = arith.constant 4608 : i32
      %add3A_249 = arith.addi %add3A_248, %mul3A_247 : i32
      %add3A_250 = arith.constant 0 : i32
      %add3A_251 = arith.addi %add3A_249, %add3A_250 : i32
      %swap3A_252 = arith.index_cast %add3A_251 : i32 to index
      %swap3A_253 = tpu.vector_load %arg7[%swap3A_252] {strides = array<i32>} : memref<8192xf32, #tpu.memory_space<vmem>>, vector<16xf32>,
      %swap3A_254 = vector.shape_cast %swap3A_253 : vector<16xf32> to vector<16xf32>
      %swap3A_255 = vector.shape_cast %select_n3A_245 : vector<16xf32> to vector<16xf32>
      tpu.vector_store %arg7[%swap3A_252], %swap3A_255 {strides = array<i32>} : memref<8192xf32, #tpu.memory_space<vmem>>, vector<16xf32>,
      %eq3A_256 = arith.constant 10 : i32
      %eq3A_257 = vector.broadcast %eq3A_256 : i32 to vector<16xi32>
      %eq3A_258 = arith.cmpi eq, %get3A_30, %eq3A_257 : vector<16xi32>
      %eq3A_259 = arith.constant 10 : i32
      %eq3A_260 = vector.broadcast %eq3A_259 : i32 to vector<16xi32>
      %eq3A_261 = arith.cmpi eq, %add3A_40, %eq3A_260 : vector<16xi32>
      %or3A_262 = arith.ori %eq3A_258, %eq3A_261 : vector<16xi1>
      %jit3A_263 = arith.constant 1.000000e+00 : f32
      %jit3A_264 = arith.constant 0.000000e+00 : f32
      %broadcast_in_dim3A_265 = vector.broadcast %jit3A_263 : f32 to vector<16xf32>
      %broadcast_in_dim3A_266 = vector.broadcast %jit3A_264 : f32 to vector<16xf32>
      %select_n3A_267 = arith.select %or3A_262, %broadcast_in_dim3A_265, %broadcast_in_dim3A_266 : vector<16xi1>, vector<16xf32>
      %mul3A_268 = arith.constant 64 : i32
      %mul3A_269 = arith.muli %scan3A_24, %mul3A_268 : i32
      %add3A_270 = arith.constant 5120 : i32
      %add3A_271 = arith.addi %add3A_270, %mul3A_269 : i32
      %add3A_272 = arith.constant 0 : i32
      %add3A_273 = arith.addi %add3A_271, %add3A_272 : i32
      %swap3A_274 = arith.index_cast %add3A_273 : i32 to index
      %swap3A_275 = tpu.vector_load %arg7[%swap3A_274] {strides = array<i32>} : memref<8192xf32, #tpu.memory_space<vmem>>, vector<16xf32>,
      %swap3A_276 = vector.shape_cast %swap3A_275 : vector<16xf32> to vector<16xf32>
      %swap3A_277 = vector.shape_cast %select_n3A_267 : vector<16xf32> to vector<16xf32>
      tpu.vector_store %arg7[%swap3A_274], %swap3A_277 {strides = array<i32>} : memref<8192xf32, #tpu.memory_space<vmem>>, vector<16xf32>,
      %eq3A_278 = arith.constant 11 : i32
      %eq3A_279 = vector.broadcast %eq3A_278 : i32 to vector<16xi32>
      %eq3A_280 = arith.cmpi eq, %get3A_30, %eq3A_279 : vector<16xi32>
      %eq3A_281 = arith.constant 11 : i32
      %eq3A_282 = vector.broadcast %eq3A_281 : i32 to vector<16xi32>
      %eq3A_283 = arith.cmpi eq, %add3A_40, %eq3A_282 : vector<16xi32>
      %or3A_284 = arith.ori %eq3A_280, %eq3A_283 : vector<16xi1>
      %jit3A_285 = arith.constant 1.000000e+00 : f32
      %jit3A_286 = arith.constant 0.000000e+00 : f32
      %broadcast_in_dim3A_287 = vector.broadcast %jit3A_285 : f32 to vector<16xf32>
      %broadcast_in_dim3A_288 = vector.broadcast %jit3A_286 : f32 to vector<16xf32>
      %select_n3A_289 = arith.select %or3A_284, %broadcast_in_dim3A_287, %broadcast_in_dim3A_288 : vector<16xi1>, vector<16xf32>
      %mul3A_290 = arith.constant 64 : i32
      %mul3A_291 = arith.muli %scan3A_24, %mul3A_290 : i32
      %add3A_292 = arith.constant 5632 : i32
      %add3A_293 = arith.addi %add3A_292, %mul3A_291 : i32
      %add3A_294 = arith.constant 0 : i32
      %add3A_295 = arith.addi %add3A_293, %add3A_294 : i32
      %swap3A_296 = arith.index_cast %add3A_295 : i32 to index
      %swap3A_297 = tpu.vector_load %arg7[%swap3A_296] {strides = array<i32>} : memref<8192xf32, #tpu.memory_space<vmem>>, vector<16xf32>,
      %swap3A_298 = vector.shape_cast %swap3A_297 : vector<16xf32> to vector<16xf32>
      %swap3A_299 = vector.shape_cast %select_n3A_289 : vector<16xf32> to vector<16xf32>
      tpu.vector_store %arg7[%swap3A_296], %swap3A_299 {strides = array<i32>} : memref<8192xf32, #tpu.memory_space<vmem>>, vector<16xf32>,
      %eq3A_300 = arith.constant 12 : i32
      %eq3A_301 = vector.broadcast %eq3A_300 : i32 to vector<16xi32>
      %eq3A_302 = arith.cmpi eq, %get3A_30, %eq3A_301 : vector<16xi32>
      %eq3A_303 = arith.constant 12 : i32
      %eq3A_304 = vector.broadcast %eq3A_303 : i32 to vector<16xi32>
      %eq3A_305 = arith.cmpi eq, %add3A_40, %eq3A_304 : vector<16xi32>
      %or3A_306 = arith.ori %eq3A_302, %eq3A_305 : vector<16xi1>
      %jit3A_307 = arith.constant 1.000000e+00 : f32
      %jit3A_308 = arith.constant 0.000000e+00 : f32
      %broadcast_in_dim3A_309 = vector.broadcast %jit3A_307 : f32 to vector<16xf32>
      %broadcast_in_dim3A_310 = vector.broadcast %jit3A_308 : f32 to vector<16xf32>
      %select_n3A_311 = arith.select %or3A_306, %broadcast_in_dim3A_309, %broadcast_in_dim3A_310 : vector<16xi1>, vector<16xf32>
      %mul3A_312 = arith.constant 64 : i32
      %mul3A_313 = arith.muli %scan3A_24, %mul3A_312 : i32
      %add3A_314 = arith.constant 6144 : i32
      %add3A_315 = arith.addi %add3A_314, %mul3A_313 : i32
      %add3A_316 = arith.constant 0 : i32
      %add3A_317 = arith.addi %add3A_315, %add3A_316 : i32
      %swap3A_318 = arith.index_cast %add3A_317 : i32 to index
      %swap3A_319 = tpu.vector_load %arg7[%swap3A_318] {strides = array<i32>} : memref<8192xf32, #tpu.memory_space<vmem>>, vector<16xf32>,
      %swap3A_320 = vector.shape_cast %swap3A_319 : vector<16xf32> to vector<16xf32>
      %swap3A_321 = vector.shape_cast %select_n3A_311 : vector<16xf32> to vector<16xf32>
      tpu.vector_store %arg7[%swap3A_318], %swap3A_321 {strides = array<i32>} : memref<8192xf32, #tpu.memory_space<vmem>>, vector<16xf32>,
      %eq3A_322 = arith.constant 13 : i32
      %eq3A_323 = vector.broadcast %eq3A_322 : i32 to vector<16xi32>
      %eq3A_324 = arith.cmpi eq, %get3A_30, %eq3A_323 : vector<16xi32>
      %eq3A_325 = arith.constant 13 : i32
      %eq3A_326 = vector.broadcast %eq3A_325 : i32 to vector<16xi32>
      %eq3A_327 = arith.cmpi eq, %add3A_40, %eq3A_326 : vector<16xi32>
      %or3A_328 = arith.ori %eq3A_324, %eq3A_327 : vector<16xi1>
      %jit3A_329 = arith.constant 1.000000e+00 : f32
      %jit3A_330 = arith.constant 0.000000e+00 : f32
      %broadcast_in_dim3A_331 = vector.broadcast %jit3A_329 : f32 to vector<16xf32>
      %broadcast_in_dim3A_332 = vector.broadcast %jit3A_330 : f32 to vector<16xf32>
      %select_n3A_333 = arith.select %or3A_328, %broadcast_in_dim3A_331, %broadcast_in_dim3A_332 : vector<16xi1>, vector<16xf32>
      %mul3A_334 = arith.constant 64 : i32
      %mul3A_335 = arith.muli %scan3A_24, %mul3A_334 : i32
      %add3A_336 = arith.constant 6656 : i32
      %add3A_337 = arith.addi %add3A_336, %mul3A_335 : i32
      %add3A_338 = arith.constant 0 : i32
      %add3A_339 = arith.addi %add3A_337, %add3A_338 : i32
      %swap3A_340 = arith.index_cast %add3A_339 : i32 to index
      %swap3A_341 = tpu.vector_load %arg7[%swap3A_340] {strides = array<i32>} : memref<8192xf32, #tpu.memory_space<vmem>>, vector<16xf32>,
      %swap3A_342 = vector.shape_cast %swap3A_341 : vector<16xf32> to vector<16xf32>
      %swap3A_343 = vector.shape_cast %select_n3A_333 : vector<16xf32> to vector<16xf32>
      tpu.vector_store %arg7[%swap3A_340], %swap3A_343 {strides = array<i32>} : memref<8192xf32, #tpu.memory_space<vmem>>, vector<16xf32>,
      %eq3A_344 = arith.constant 14 : i32
      %eq3A_345 = vector.broadcast %eq3A_344 : i32 to vector<16xi32>
      %eq3A_346 = arith.cmpi eq, %get3A_30, %eq3A_345 : vector<16xi32>
      %eq3A_347 = arith.constant 14 : i32
      %eq3A_348 = vector.broadcast %eq3A_347 : i32 to vector<16xi32>
      %eq3A_349 = arith.cmpi eq, %add3A_40, %eq3A_348 : vector<16xi32>
      %or3A_350 = arith.ori %eq3A_346, %eq3A_349 : vector<16xi1>
      %jit3A_351 = arith.constant 1.000000e+00 : f32
      %jit3A_352 = arith.constant 0.000000e+00 : f32
      %broadcast_in_dim3A_353 = vector.broadcast %jit3A_351 : f32 to vector<16xf32>
      %broadcast_in_dim3A_354 = vector.broadcast %jit3A_352 : f32 to vector<16xf32>
      %select_n3A_355 = arith.select %or3A_350, %broadcast_in_dim3A_353, %broadcast_in_dim3A_354 : vector<16xi1>, vector<16xf32>
      %mul3A_356 = arith.constant 64 : i32
      %mul3A_357 = arith.muli %scan3A_24, %mul3A_356 : i32
      %add3A_358 = arith.constant 7168 : i32
      %add3A_359 = arith.addi %add3A_358, %mul3A_357 : i32
      %add3A_360 = arith.constant 0 : i32
      %add3A_361 = arith.addi %add3A_359, %add3A_360 : i32
      %swap3A_362 = arith.index_cast %add3A_361 : i32 to index
      %swap3A_363 = tpu.vector_load %arg7[%swap3A_362] {strides = array<i32>} : memref<8192xf32, #tpu.memory_space<vmem>>, vector<16xf32>,
      %swap3A_364 = vector.shape_cast %swap3A_363 : vector<16xf32> to vector<16xf32>
      %swap3A_365 = vector.shape_cast %select_n3A_355 : vector<16xf32> to vector<16xf32>
      tpu.vector_store %arg7[%swap3A_362], %swap3A_365 {strides = array<i32>} : memref<8192xf32, #tpu.memory_space<vmem>>, vector<16xf32>,
      %mul3A_366 = arith.constant 64 : i32
      %mul3A_367 = arith.muli %scan3A_24, %mul3A_366 : i32
      %add3A_368 = arith.constant 7680 : i32
      %add3A_369 = arith.addi %add3A_368, %mul3A_367 : i32
      %add3A_370 = arith.constant 0 : i32
      %add3A_371 = arith.addi %add3A_369, %add3A_370 : i32
      %swap3A_372 = arith.index_cast %add3A_371 : i32 to index
      %swap3A_373 = tpu.vector_load %arg7[%swap3A_372] {strides = array<i32>} : memref<8192xf32, #tpu.memory_space<vmem>>, vector<16xf32>,
      %swap3A_374 = vector.shape_cast %swap3A_373 : vector<16xf32> to vector<16xf32>
      %swap3A_375 = vector.shape_cast %broadcast_in_dim3A_3 : vector<16xf32> to vector<16xf32>
      tpu.vector_store %arg7[%swap3A_372], %swap3A_375 {strides = array<i32>} : memref<8192xf32, #tpu.memory_space<vmem>>, vector<16xf32>,
      %mul3A_376 = arith.constant 64 : i32
      %mul3A_377 = arith.muli %scan3A_24, %mul3A_376 : i32
      %add3A_378 = arith.constant 16 : i32
      %add3A_379 = arith.addi %mul3A_377, %add3A_378 : i32
      %get3A_380 = arith.index_cast %add3A_379 : i32 to index
      %get3A_381 = tpu.vector_load %arg5[%get3A_380] {strides = array<i32>} : memref<512xi32, #tpu.memory_space<vmem>>, vector<16xi32>,
      %get3A_382 = vector.shape_cast %get3A_381 : vector<16xi32> to vector<16xi32>
      %mul3A_383 = arith.constant 64 : i32
      %mul3A_384 = arith.muli %scan3A_24, %mul3A_383 : i32
      %add3A_385 = arith.constant 16 : i32
      %add3A_386 = arith.addi %mul3A_384, %add3A_385 : i32
      %get3A_387 = arith.index_cast %add3A_386 : i32 to index
      %get3A_388 = tpu.vector_load %arg6[%get3A_387] {strides = array<i32>} : memref<512xi32, #tpu.memory_space<vmem>>, vector<16xi32>,
      %get3A_389 = vector.shape_cast %get3A_388 : vector<16xi32> to vector<16xi32>
      %add3A_390 = arith.constant 10 : i32
      %add3A_391 = vector.broadcast %add3A_390 : i32 to vector<16xi32>
      %add3A_392 = arith.addi %get3A_389, %add3A_391 : vector<16xi32>
      %eq3A_393 = arith.constant 0 : i32
      %eq3A_394 = vector.broadcast %eq3A_393 : i32 to vector<16xi32>
      %eq3A_395 = arith.cmpi eq, %get3A_382, %eq3A_394 : vector<16xi32>
      %eq3A_396 = arith.constant 0 : i32
      %eq3A_397 = vector.broadcast %eq3A_396 : i32 to vector<16xi32>
      %eq3A_398 = arith.cmpi eq, %add3A_392, %eq3A_397 : vector<16xi32>
      %or3A_399 = arith.ori %eq3A_395, %eq3A_398 : vector<16xi1>
      %jit3A_400 = arith.constant 1.000000e+00 : f32
      %jit3A_401 = arith.constant 0.000000e+00 : f32
      %broadcast_in_dim3A_402 = vector.broadcast %jit3A_400 : f32 to vector<16xf32>
      %broadcast_in_dim3A_403 = vector.broadcast %jit3A_401 : f32 to vector<16xf32>
      %select_n3A_404 = arith.select %or3A_399, %broadcast_in_dim3A_402, %broadcast_in_dim3A_403 : vector<16xi1>, vector<16xf32>
      %mul3A_405 = arith.constant 64 : i32
      %mul3A_406 = arith.muli %scan3A_24, %mul3A_405 : i32
      %add3A_407 = arith.constant 0 : i32
      %add3A_408 = arith.addi %add3A_407, %mul3A_406 : i32
      %add3A_409 = arith.constant 16 : i32
      %add3A_410 = arith.addi %add3A_408, %add3A_409 : i32
      %swap3A_411 = arith.index_cast %add3A_410 : i32 to index
      %swap3A_412 = tpu.vector_load %arg7[%swap3A_411] {strides = array<i32>} : memref<8192xf32, #tpu.memory_space<vmem>>, vector<16xf32>,
      %swap3A_413 = vector.shape_cast %swap3A_412 : vector<16xf32> to vector<16xf32>
      %swap3A_414 = vector.shape_cast %select_n3A_404 : vector<16xf32> to vector<16xf32>
      tpu.vector_store %arg7[%swap3A_411], %swap3A_414 {strides = array<i32>} : memref<8192xf32, #tpu.memory_space<vmem>>, vector<16xf32>,
      %eq3A_415 = arith.constant 1 : i32
      %eq3A_416 = vector.broadcast %eq3A_415 : i32 to vector<16xi32>
      %eq3A_417 = arith.cmpi eq, %get3A_382, %eq3A_416 : vector<16xi32>
      %eq3A_418 = arith.constant 1 : i32
      %eq3A_419 = vector.broadcast %eq3A_418 : i32 to vector<16xi32>
      %eq3A_420 = arith.cmpi eq, %add3A_392, %eq3A_419 : vector<16xi32>
      %or3A_421 = arith.ori %eq3A_417, %eq3A_420 : vector<16xi1>
      %jit3A_422 = arith.constant 1.000000e+00 : f32
      %jit3A_423 = arith.constant 0.000000e+00 : f32
      %broadcast_in_dim3A_424 = vector.broadcast %jit3A_422 : f32 to vector<16xf32>
      %broadcast_in_dim3A_425 = vector.broadcast %jit3A_423 : f32 to vector<16xf32>
      %select_n3A_426 = arith.select %or3A_421, %broadcast_in_dim3A_424, %broadcast_in_dim3A_425 : vector<16xi1>, vector<16xf32>
      %mul3A_427 = arith.constant 64 : i32
      %mul3A_428 = arith.muli %scan3A_24, %mul3A_427 : i32
      %add3A_429 = arith.constant 512 : i32
      %add3A_430 = arith.addi %add3A_429, %mul3A_428 : i32
      %add3A_431 = arith.constant 16 : i32
      %add3A_432 = arith.addi %add3A_430, %add3A_431 : i32
      %swap3A_433 = arith.index_cast %add3A_432 : i32 to index
      %swap3A_434 = tpu.vector_load %arg7[%swap3A_433] {strides = array<i32>} : memref<8192xf32, #tpu.memory_space<vmem>>, vector<16xf32>,
      %swap3A_435 = vector.shape_cast %swap3A_434 : vector<16xf32> to vector<16xf32>
      %swap3A_436 = vector.shape_cast %select_n3A_426 : vector<16xf32> to vector<16xf32>
      tpu.vector_store %arg7[%swap3A_433], %swap3A_436 {strides = array<i32>} : memref<8192xf32, #tpu.memory_space<vmem>>, vector<16xf32>,
      %eq3A_437 = arith.constant 2 : i32
      %eq3A_438 = vector.broadcast %eq3A_437 : i32 to vector<16xi32>
      %eq3A_439 = arith.cmpi eq, %get3A_382, %eq3A_438 : vector<16xi32>
      %eq3A_440 = arith.constant 2 : i32
      %eq3A_441 = vector.broadcast %eq3A_440 : i32 to vector<16xi32>
      %eq3A_442 = arith.cmpi eq, %add3A_392, %eq3A_441 : vector<16xi32>
      %or3A_443 = arith.ori %eq3A_439, %eq3A_442 : vector<16xi1>
      %jit3A_444 = arith.constant 1.000000e+00 : f32
      %jit3A_445 = arith.constant 0.000000e+00 : f32
      %broadcast_in_dim3A_446 = vector.broadcast %jit3A_444 : f32 to vector<16xf32>
      %broadcast_in_dim3A_447 = vector.broadcast %jit3A_445 : f32 to vector<16xf32>
      %select_n3A_448 = arith.select %or3A_443, %broadcast_in_dim3A_446, %broadcast_in_dim3A_447 : vector<16xi1>, vector<16xf32>
      %mul3A_449 = arith.constant 64 : i32
      %mul3A_450 = arith.muli %scan3A_24, %mul3A_449 : i32
      %add3A_451 = arith.constant 1024 : i32
      %add3A_452 = arith.addi %add3A_451, %mul3A_450 : i32
      %add3A_453 = arith.constant 16 : i32
      %add3A_454 = arith.addi %add3A_452, %add3A_453 : i32
      %swap3A_455 = arith.index_cast %add3A_454 : i32 to index
      %swap3A_456 = tpu.vector_load %arg7[%swap3A_455] {strides = array<i32>} : memref<8192xf32, #tpu.memory_space<vmem>>, vector<16xf32>,
      %swap3A_457 = vector.shape_cast %swap3A_456 : vector<16xf32> to vector<16xf32>
      %swap3A_458 = vector.shape_cast %select_n3A_448 : vector<16xf32> to vector<16xf32>
      tpu.vector_store %arg7[%swap3A_455], %swap3A_458 {strides = array<i32>} : memref<8192xf32, #tpu.memory_space<vmem>>, vector<16xf32>,
      %eq3A_459 = arith.constant 3 : i32
      %eq3A_460 = vector.broadcast %eq3A_459 : i32 to vector<16xi32>
      %eq3A_461 = arith.cmpi eq, %get3A_382, %eq3A_460 : vector<16xi32>
      %eq3A_462 = arith.constant 3 : i32
      %eq3A_463 = vector.broadcast %eq3A_462 : i32 to vector<16xi32>
      %eq3A_464 = arith.cmpi eq, %add3A_392, %eq3A_463 : vector<16xi32>
      %or3A_465 = arith.ori %eq3A_461, %eq3A_464 : vector<16xi1>
      %jit3A_466 = arith.constant 1.000000e+00 : f32
      %jit3A_467 = arith.constant 0.000000e+00 : f32
      %broadcast_in_dim3A_468 = vector.broadcast %jit3A_466 : f32 to vector<16xf32>
      %broadcast_in_dim3A_469 = vector.broadcast %jit3A_467 : f32 to vector<16xf32>
      %select_n3A_470 = arith.select %or3A_465, %broadcast_in_dim3A_468, %broadcast_in_dim3A_469 : vector<16xi1>, vector<16xf32>
      %mul3A_471 = arith.constant 64 : i32
      %mul3A_472 = arith.muli %scan3A_24, %mul3A_471 : i32
      %add3A_473 = arith.constant 1536 : i32
      %add3A_474 = arith.addi %add3A_473, %mul3A_472 : i32
      %add3A_475 = arith.constant 16 : i32
      %add3A_476 = arith.addi %add3A_474, %add3A_475 : i32
      %swap3A_477 = arith.index_cast %add3A_476 : i32 to index
      %swap3A_478 = tpu.vector_load %arg7[%swap3A_477] {strides = array<i32>} : memref<8192xf32, #tpu.memory_space<vmem>>, vector<16xf32>,
      %swap3A_479 = vector.shape_cast %swap3A_478 : vector<16xf32> to vector<16xf32>
      %swap3A_480 = vector.shape_cast %select_n3A_470 : vector<16xf32> to vector<16xf32>
      tpu.vector_store %arg7[%swap3A_477], %swap3A_480 {strides = array<i32>} : memref<8192xf32, #tpu.memory_space<vmem>>, vector<16xf32>,
      %eq3A_481 = arith.constant 4 : i32
      %eq3A_482 = vector.broadcast %eq3A_481 : i32 to vector<16xi32>
      %eq3A_483 = arith.cmpi eq, %get3A_382, %eq3A_482 : vector<16xi32>
      %eq3A_484 = arith.constant 4 : i32
      %eq3A_485 = vector.broadcast %eq3A_484 : i32 to vector<16xi32>
      %eq3A_486 = arith.cmpi eq, %add3A_392, %eq3A_485 : vector<16xi32>
      %or3A_487 = arith.ori %eq3A_483, %eq3A_486 : vector<16xi1>
      %jit3A_488 = arith.constant 1.000000e+00 : f32
      %jit3A_489 = arith.constant 0.000000e+00 : f32
      %broadcast_in_dim3A_490 = vector.broadcast %jit3A_488 : f32 to vector<16xf32>
      %broadcast_in_dim3A_491 = vector.broadcast %jit3A_489 : f32 to vector<16xf32>
      %select_n3A_492 = arith.select %or3A_487, %broadcast_in_dim3A_490, %broadcast_in_dim3A_491 : vector<16xi1>, vector<16xf32>
      %mul3A_493 = arith.constant 64 : i32
      %mul3A_494 = arith.muli %scan3A_24, %mul3A_493 : i32
      %add3A_495 = arith.constant 2048 : i32
      %add3A_496 = arith.addi %add3A_495, %mul3A_494 : i32
      %add3A_497 = arith.constant 16 : i32
      %add3A_498 = arith.addi %add3A_496, %add3A_497 : i32
      %swap3A_499 = arith.index_cast %add3A_498 : i32 to index
      %swap3A_500 = tpu.vector_load %arg7[%swap3A_499] {strides = array<i32>} : memref<8192xf32, #tpu.memory_space<vmem>>, vector<16xf32>,
      %swap3A_501 = vector.shape_cast %swap3A_500 : vector<16xf32> to vector<16xf32>
      %swap3A_502 = vector.shape_cast %select_n3A_492 : vector<16xf32> to vector<16xf32>
      tpu.vector_store %arg7[%swap3A_499], %swap3A_502 {strides = array<i32>} : memref<8192xf32, #tpu.memory_space<vmem>>, vector<16xf32>,
      %eq3A_503 = arith.constant 5 : i32
      %eq3A_504 = vector.broadcast %eq3A_503 : i32 to vector<16xi32>
      %eq3A_505 = arith.cmpi eq, %get3A_382, %eq3A_504 : vector<16xi32>
      %eq3A_506 = arith.constant 5 : i32
      %eq3A_507 = vector.broadcast %eq3A_506 : i32 to vector<16xi32>
      %eq3A_508 = arith.cmpi eq, %add3A_392, %eq3A_507 : vector<16xi32>
      %or3A_509 = arith.ori %eq3A_505, %eq3A_508 : vector<16xi1>
      %jit3A_510 = arith.constant 1.000000e+00 : f32
      %jit3A_511 = arith.constant 0.000000e+00 : f32
      %broadcast_in_dim3A_512 = vector.broadcast %jit3A_510 : f32 to vector<16xf32>
      %broadcast_in_dim3A_513 = vector.broadcast %jit3A_511 : f32 to vector<16xf32>
      %select_n3A_514 = arith.select %or3A_509, %broadcast_in_dim3A_512, %broadcast_in_dim3A_513 : vector<16xi1>, vector<16xf32>
      %mul3A_515 = arith.constant 64 : i32
      %mul3A_516 = arith.muli %scan3A_24, %mul3A_515 : i32
      %add3A_517 = arith.constant 2560 : i32
      %add3A_518 = arith.addi %add3A_517, %mul3A_516 : i32
      %add3A_519 = arith.constant 16 : i32
      %add3A_520 = arith.addi %add3A_518, %add3A_519 : i32
      %swap3A_521 = arith.index_cast %add3A_520 : i32 to index
      %swap3A_522 = tpu.vector_load %arg7[%swap3A_521] {strides = array<i32>} : memref<8192xf32, #tpu.memory_space<vmem>>, vector<16xf32>,
      %swap3A_523 = vector.shape_cast %swap3A_522 : vector<16xf32> to vector<16xf32>
      %swap3A_524 = vector.shape_cast %select_n3A_514 : vector<16xf32> to vector<16xf32>
      tpu.vector_store %arg7[%swap3A_521], %swap3A_524 {strides = array<i32>} : memref<8192xf32, #tpu.memory_space<vmem>>, vector<16xf32>,
      %eq3A_525 = arith.constant 6 : i32
      %eq3A_526 = vector.broadcast %eq3A_525 : i32 to vector<16xi32>
      %eq3A_527 = arith.cmpi eq, %get3A_382, %eq3A_526 : vector<16xi32>
      %eq3A_528 = arith.constant 6 : i32
      %eq3A_529 = vector.broadcast %eq3A_528 : i32 to vector<16xi32>
      %eq3A_530 = arith.cmpi eq, %add3A_392, %eq3A_529 : vector<16xi32>
      %or3A_531 = arith.ori %eq3A_527, %eq3A_530 : vector<16xi1>
      %jit3A_532 = arith.constant 1.000000e+00 : f32
      %jit3A_533 = arith.constant 0.000000e+00 : f32
      %broadcast_in_dim3A_534 = vector.broadcast %jit3A_532 : f32 to vector<16xf32>
      %broadcast_in_dim3A_535 = vector.broadcast %jit3A_533 : f32 to vector<16xf32>
      %select_n3A_536 = arith.select %or3A_531, %broadcast_in_dim3A_534, %broadcast_in_dim3A_535 : vector<16xi1>, vector<16xf32>
      %mul3A_537 = arith.constant 64 : i32
      %mul3A_538 = arith.muli %scan3A_24, %mul3A_537 : i32
      %add3A_539 = arith.constant 3072 : i32
      %add3A_540 = arith.addi %add3A_539, %mul3A_538 : i32
      %add3A_541 = arith.constant 16 : i32
      %add3A_542 = arith.addi %add3A_540, %add3A_541 : i32
      %swap3A_543 = arith.index_cast %add3A_542 : i32 to index
      %swap3A_544 = tpu.vector_load %arg7[%swap3A_543] {strides = array<i32>} : memref<8192xf32, #tpu.memory_space<vmem>>, vector<16xf32>,
      %swap3A_545 = vector.shape_cast %swap3A_544 : vector<16xf32> to vector<16xf32>
      %swap3A_546 = vector.shape_cast %select_n3A_536 : vector<16xf32> to vector<16xf32>
      tpu.vector_store %arg7[%swap3A_543], %swap3A_546 {strides = array<i32>} : memref<8192xf32, #tpu.memory_space<vmem>>, vector<16xf32>,
      %eq3A_547 = arith.constant 7 : i32
      %eq3A_548 = vector.broadcast %eq3A_547 : i32 to vector<16xi32>
      %eq3A_549 = arith.cmpi eq, %get3A_382, %eq3A_548 : vector<16xi32>
      %eq3A_550 = arith.constant 7 : i32
      %eq3A_551 = vector.broadcast %eq3A_550 : i32 to vector<16xi32>
      %eq3A_552 = arith.cmpi eq, %add3A_392, %eq3A_551 : vector<16xi32>
      %or3A_553 = arith.ori %eq3A_549, %eq3A_552 : vector<16xi1>
      %jit3A_554 = arith.constant 1.000000e+00 : f32
      %jit3A_555 = arith.constant 0.000000e+00 : f32
      %broadcast_in_dim3A_556 = vector.broadcast %jit3A_554 : f32 to vector<16xf32>
      %broadcast_in_dim3A_557 = vector.broadcast %jit3A_555 : f32 to vector<16xf32>
      %select_n3A_558 = arith.select %or3A_553, %broadcast_in_dim3A_556, %broadcast_in_dim3A_557 : vector<16xi1>, vector<16xf32>
      %mul3A_559 = arith.constant 64 : i32
      %mul3A_560 = arith.muli %scan3A_24, %mul3A_559 : i32
      %add3A_561 = arith.constant 3584 : i32
      %add3A_562 = arith.addi %add3A_561, %mul3A_560 : i32
      %add3A_563 = arith.constant 16 : i32
      %add3A_564 = arith.addi %add3A_562, %add3A_563 : i32
      %swap3A_565 = arith.index_cast %add3A_564 : i32 to index
      %swap3A_566 = tpu.vector_load %arg7[%swap3A_565] {strides = array<i32>} : memref<8192xf32, #tpu.memory_space<vmem>>, vector<16xf32>,
      %swap3A_567 = vector.shape_cast %swap3A_566 : vector<16xf32> to vector<16xf32>
      %swap3A_568 = vector.shape_cast %select_n3A_558 : vector<16xf32> to vector<16xf32>
      tpu.vector_store %arg7[%swap3A_565], %swap3A_568 {strides = array<i32>} : memref<8192xf32, #tpu.memory_space<vmem>>, vector<16xf32>,
      %eq3A_569 = arith.constant 8 : i32
      %eq3A_570 = vector.broadcast %eq3A_569 : i32 to vector<16xi32>
      %eq3A_571 = arith.cmpi eq, %get3A_382, %eq3A_570 : vector<16xi32>
      %eq3A_572 = arith.constant 8 : i32
      %eq3A_573 = vector.broadcast %eq3A_572 : i32 to vector<16xi32>
      %eq3A_574 = arith.cmpi eq, %add3A_392, %eq3A_573 : vector<16xi32>
      %or3A_575 = arith.ori %eq3A_571, %eq3A_574 : vector<16xi1>
      %jit3A_576 = arith.constant 1.000000e+00 : f32
      %jit3A_577 = arith.constant 0.000000e+00 : f32
      %broadcast_in_dim3A_578 = vector.broadcast %jit3A_576 : f32 to vector<16xf32>
      %broadcast_in_dim3A_579 = vector.broadcast %jit3A_577 : f32 to vector<16xf32>
      %select_n3A_580 = arith.select %or3A_575, %broadcast_in_dim3A_578, %broadcast_in_dim3A_579 : vector<16xi1>, vector<16xf32>
      %mul3A_581 = arith.constant 64 : i32
      %mul3A_582 = arith.muli %scan3A_24, %mul3A_581 : i32
      %add3A_583 = arith.constant 4096 : i32
      %add3A_584 = arith.addi %add3A_583, %mul3A_582 : i32
      %add3A_585 = arith.constant 16 : i32
      %add3A_586 = arith.addi %add3A_584, %add3A_585 : i32
      %swap3A_587 = arith.index_cast %add3A_586 : i32 to index
      %swap3A_588 = tpu.vector_load %arg7[%swap3A_587] {strides = array<i32>} : memref<8192xf32, #tpu.memory_space<vmem>>, vector<16xf32>,
      %swap3A_589 = vector.shape_cast %swap3A_588 : vector<16xf32> to vector<16xf32>
      %swap3A_590 = vector.shape_cast %select_n3A_580 : vector<16xf32> to vector<16xf32>
      tpu.vector_store %arg7[%swap3A_587], %swap3A_590 {strides = array<i32>} : memref<8192xf32, #tpu.memory_space<vmem>>, vector<16xf32>,
      %eq3A_591 = arith.constant 9 : i32
      %eq3A_592 = vector.broadcast %eq3A_591 : i32 to vector<16xi32>
      %eq3A_593 = arith.cmpi eq, %get3A_382, %eq3A_592 : vector<16xi32>
      %eq3A_594 = arith.constant 9 : i32
      %eq3A_595 = vector.broadcast %eq3A_594 : i32 to vector<16xi32>
      %eq3A_596 = arith.cmpi eq, %add3A_392, %eq3A_595 : vector<16xi32>
      %or3A_597 = arith.ori %eq3A_593, %eq3A_596 : vector<16xi1>
      %jit3A_598 = arith.constant 1.000000e+00 : f32
      %jit3A_599 = arith.constant 0.000000e+00 : f32
      %broadcast_in_dim3A_600 = vector.broadcast %jit3A_598 : f32 to vector<16xf32>
      %broadcast_in_dim3A_601 = vector.broadcast %jit3A_599 : f32 to vector<16xf32>
      %select_n3A_602 = arith.select %or3A_597, %broadcast_in_dim3A_600, %broadcast_in_dim3A_601 : vector<16xi1>, vector<16xf32>
      %mul3A_603 = arith.constant 64 : i32
      %mul3A_604 = arith.muli %scan3A_24, %mul3A_603 : i32
      %add3A_605 = arith.constant 4608 : i32
      %add3A_606 = arith.addi %add3A_605, %mul3A_604 : i32
      %add3A_607 = arith.constant 16 : i32
      %add3A_608 = arith.addi %add3A_606, %add3A_607 : i32
      %swap3A_609 = arith.index_cast %add3A_608 : i32 to index
      %swap3A_610 = tpu.vector_load %arg7[%swap3A_609] {strides = array<i32>} : memref<8192xf32, #tpu.memory_space<vmem>>, vector<16xf32>,
      %swap3A_611 = vector.shape_cast %swap3A_610 : vector<16xf32> to vector<16xf32>
      %swap3A_612 = vector.shape_cast %select_n3A_602 : vector<16xf32> to vector<16xf32>
      tpu.vector_store %arg7[%swap3A_609], %swap3A_612 {strides = array<i32>} : memref<8192xf32, #tpu.memory_space<vmem>>, vector<16xf32>,
      %eq3A_613 = arith.constant 10 : i32
      %eq3A_614 = vector.broadcast %eq3A_613 : i32 to vector<16xi32>
      %eq3A_615 = arith.cmpi eq, %get3A_382, %eq3A_614 : vector<16xi32>
      %eq3A_616 = arith.constant 10 : i32
      %eq3A_617 = vector.broadcast %eq3A_616 : i32 to vector<16xi32>
      %eq3A_618 = arith.cmpi eq, %add3A_392, %eq3A_617 : vector<16xi32>
      %or3A_619 = arith.ori %eq3A_615, %eq3A_618 : vector<16xi1>
      %jit3A_620 = arith.constant 1.000000e+00 : f32
      %jit3A_621 = arith.constant 0.000000e+00 : f32
      %broadcast_in_dim3A_622 = vector.broadcast %jit3A_620 : f32 to vector<16xf32>
      %broadcast_in_dim3A_623 = vector.broadcast %jit3A_621 : f32 to vector<16xf32>
      %select_n3A_624 = arith.select %or3A_619, %broadcast_in_dim3A_622, %broadcast_in_dim3A_623 : vector<16xi1>, vector<16xf32>
      %mul3A_625 = arith.constant 64 : i32
      %mul3A_626 = arith.muli %scan3A_24, %mul3A_625 : i32
      %add3A_627 = arith.constant 5120 : i32
      %add3A_628 = arith.addi %add3A_627, %mul3A_626 : i32
      %add3A_629 = arith.constant 16 : i32
      %add3A_630 = arith.addi %add3A_628, %add3A_629 : i32
      %swap3A_631 = arith.index_cast %add3A_630 : i32 to index
      %swap3A_632 = tpu.vector_load %arg7[%swap3A_631] {strides = array<i32>} : memref<8192xf32, #tpu.memory_space<vmem>>, vector<16xf32>,
      %swap3A_633 = vector.shape_cast %swap3A_632 : vector<16xf32> to vector<16xf32>
      %swap3A_634 = vector.shape_cast %select_n3A_624 : vector<16xf32> to vector<16xf32>
      tpu.vector_store %arg7[%swap3A_631], %swap3A_634 {strides = array<i32>} : memref<8192xf32, #tpu.memory_space<vmem>>, vector<16xf32>,
      %eq3A_635 = arith.constant 11 : i32
      %eq3A_636 = vector.broadcast %eq3A_635 : i32 to vector<16xi32>
      %eq3A_637 = arith.cmpi eq, %get3A_382, %eq3A_636 : vector<16xi32>
      %eq3A_638 = arith.constant 11 : i32
      %eq3A_639 = vector.broadcast %eq3A_638 : i32 to vector<16xi32>
      %eq3A_640 = arith.cmpi eq, %add3A_392, %eq3A_639 : vector<16xi32>
      %or3A_641 = arith.ori %eq3A_637, %eq3A_640 : vector<16xi1>
      %jit3A_642 = arith.constant 1.000000e+00 : f32
      %jit3A_643 = arith.constant 0.000000e+00 : f32
      %broadcast_in_dim3A_644 = vector.broadcast %jit3A_642 : f32 to vector<16xf32>
      %broadcast_in_dim3A_645 = vector.broadcast %jit3A_643 : f32 to vector<16xf32>
      %select_n3A_646 = arith.select %or3A_641, %broadcast_in_dim3A_644, %broadcast_in_dim3A_645 : vector<16xi1>, vector<16xf32>
      %mul3A_647 = arith.constant 64 : i32
      %mul3A_648 = arith.muli %scan3A_24, %mul3A_647 : i32
      %add3A_649 = arith.constant 5632 : i32
      %add3A_650 = arith.addi %add3A_649, %mul3A_648 : i32
      %add3A_651 = arith.constant 16 : i32
      %add3A_652 = arith.addi %add3A_650, %add3A_651 : i32
      %swap3A_653 = arith.index_cast %add3A_652 : i32 to index
      %swap3A_654 = tpu.vector_load %arg7[%swap3A_653] {strides = array<i32>} : memref<8192xf32, #tpu.memory_space<vmem>>, vector<16xf32>,
      %swap3A_655 = vector.shape_cast %swap3A_654 : vector<16xf32> to vector<16xf32>
      %swap3A_656 = vector.shape_cast %select_n3A_646 : vector<16xf32> to vector<16xf32>
      tpu.vector_store %arg7[%swap3A_653], %swap3A_656 {strides = array<i32>} : memref<8192xf32, #tpu.memory_space<vmem>>, vector<16xf32>,
      %eq3A_657 = arith.constant 12 : i32
      %eq3A_658 = vector.broadcast %eq3A_657 : i32 to vector<16xi32>
      %eq3A_659 = arith.cmpi eq, %get3A_382, %eq3A_658 : vector<16xi32>
      %eq3A_660 = arith.constant 12 : i32
      %eq3A_661 = vector.broadcast %eq3A_660 : i32 to vector<16xi32>
      %eq3A_662 = arith.cmpi eq, %add3A_392, %eq3A_661 : vector<16xi32>
      %or3A_663 = arith.ori %eq3A_659, %eq3A_662 : vector<16xi1>
      %jit3A_664 = arith.constant 1.000000e+00 : f32
      %jit3A_665 = arith.constant 0.000000e+00 : f32
      %broadcast_in_dim3A_666 = vector.broadcast %jit3A_664 : f32 to vector<16xf32>
      %broadcast_in_dim3A_667 = vector.broadcast %jit3A_665 : f32 to vector<16xf32>
      %select_n3A_668 = arith.select %or3A_663, %broadcast_in_dim3A_666, %broadcast_in_dim3A_667 : vector<16xi1>, vector<16xf32>
      %mul3A_669 = arith.constant 64 : i32
      %mul3A_670 = arith.muli %scan3A_24, %mul3A_669 : i32
      %add3A_671 = arith.constant 6144 : i32
      %add3A_672 = arith.addi %add3A_671, %mul3A_670 : i32
      %add3A_673 = arith.constant 16 : i32
      %add3A_674 = arith.addi %add3A_672, %add3A_673 : i32
      %swap3A_675 = arith.index_cast %add3A_674 : i32 to index
      %swap3A_676 = tpu.vector_load %arg7[%swap3A_675] {strides = array<i32>} : memref<8192xf32, #tpu.memory_space<vmem>>, vector<16xf32>,
      %swap3A_677 = vector.shape_cast %swap3A_676 : vector<16xf32> to vector<16xf32>
      %swap3A_678 = vector.shape_cast %select_n3A_668 : vector<16xf32> to vector<16xf32>
      tpu.vector_store %arg7[%swap3A_675], %swap3A_678 {strides = array<i32>} : memref<8192xf32, #tpu.memory_space<vmem>>, vector<16xf32>,
      %eq3A_679 = arith.constant 13 : i32
      %eq3A_680 = vector.broadcast %eq3A_679 : i32 to vector<16xi32>
      %eq3A_681 = arith.cmpi eq, %get3A_382, %eq3A_680 : vector<16xi32>
      %eq3A_682 = arith.constant 13 : i32
      %eq3A_683 = vector.broadcast %eq3A_682 : i32 to vector<16xi32>
      %eq3A_684 = arith.cmpi eq, %add3A_392, %eq3A_683 : vector<16xi32>
      %or3A_685 = arith.ori %eq3A_681, %eq3A_684 : vector<16xi1>
      %jit3A_686 = arith.constant 1.000000e+00 : f32
      %jit3A_687 = arith.constant 0.000000e+00 : f32
      %broadcast_in_dim3A_688 = vector.broadcast %jit3A_686 : f32 to vector<16xf32>
      %broadcast_in_dim3A_689 = vector.broadcast %jit3A_687 : f32 to vector<16xf32>
      %select_n3A_690 = arith.select %or3A_685, %broadcast_in_dim3A_688, %broadcast_in_dim3A_689 : vector<16xi1>, vector<16xf32>
      %mul3A_691 = arith.constant 64 : i32
      %mul3A_692 = arith.muli %scan3A_24, %mul3A_691 : i32
      %add3A_693 = arith.constant 6656 : i32
      %add3A_694 = arith.addi %add3A_693, %mul3A_692 : i32
      %add3A_695 = arith.constant 16 : i32
      %add3A_696 = arith.addi %add3A_694, %add3A_695 : i32
      %swap3A_697 = arith.index_cast %add3A_696 : i32 to index
      %swap3A_698 = tpu.vector_load %arg7[%swap3A_697] {strides = array<i32>} : memref<8192xf32, #tpu.memory_space<vmem>>, vector<16xf32>,
      %swap3A_699 = vector.shape_cast %swap3A_698 : vector<16xf32> to vector<16xf32>
      %swap3A_700 = vector.shape_cast %select_n3A_690 : vector<16xf32> to vector<16xf32>
      tpu.vector_store %arg7[%swap3A_697], %swap3A_700 {strides = array<i32>} : memref<8192xf32, #tpu.memory_space<vmem>>, vector<16xf32>,
      %eq3A_701 = arith.constant 14 : i32
      %eq3A_702 = vector.broadcast %eq3A_701 : i32 to vector<16xi32>
      %eq3A_703 = arith.cmpi eq, %get3A_382, %eq3A_702 : vector<16xi32>
      %eq3A_704 = arith.constant 14 : i32
      %eq3A_705 = vector.broadcast %eq3A_704 : i32 to vector<16xi32>
      %eq3A_706 = arith.cmpi eq, %add3A_392, %eq3A_705 : vector<16xi32>
      %or3A_707 = arith.ori %eq3A_703, %eq3A_706 : vector<16xi1>
      %jit3A_708 = arith.constant 1.000000e+00 : f32
      %jit3A_709 = arith.constant 0.000000e+00 : f32
      %broadcast_in_dim3A_710 = vector.broadcast %jit3A_708 : f32 to vector<16xf32>
      %broadcast_in_dim3A_711 = vector.broadcast %jit3A_709 : f32 to vector<16xf32>
      %select_n3A_712 = arith.select %or3A_707, %broadcast_in_dim3A_710, %broadcast_in_dim3A_711 : vector<16xi1>, vector<16xf32>
      %mul3A_713 = arith.constant 64 : i32
      %mul3A_714 = arith.muli %scan3A_24, %mul3A_713 : i32
      %add3A_715 = arith.constant 7168 : i32
      %add3A_716 = arith.addi %add3A_715, %mul3A_714 : i32
      %add3A_717 = arith.constant 16 : i32
      %add3A_718 = arith.addi %add3A_716, %add3A_717 : i32
      %swap3A_719 = arith.index_cast %add3A_718 : i32 to index
      %swap3A_720 = tpu.vector_load %arg7[%swap3A_719] {strides = array<i32>} : memref<8192xf32, #tpu.memory_space<vmem>>, vector<16xf32>,
      %swap3A_721 = vector.shape_cast %swap3A_720 : vector<16xf32> to vector<16xf32>
      %swap3A_722 = vector.shape_cast %select_n3A_712 : vector<16xf32> to vector<16xf32>
      tpu.vector_store %arg7[%swap3A_719], %swap3A_722 {strides = array<i32>} : memref<8192xf32, #tpu.memory_space<vmem>>, vector<16xf32>,
      %mul3A_723 = arith.constant 64 : i32
      %mul3A_724 = arith.muli %scan3A_24, %mul3A_723 : i32
      %add3A_725 = arith.constant 7680 : i32
      %add3A_726 = arith.addi %add3A_725, %mul3A_724 : i32
      %add3A_727 = arith.constant 16 : i32
      %add3A_728 = arith.addi %add3A_726, %add3A_727 : i32
      %swap3A_729 = arith.index_cast %add3A_728 : i32 to index
      %swap3A_730 = tpu.vector_load %arg7[%swap3A_729] {strides = array<i32>} : memref<8192xf32, #tpu.memory_space<vmem>>, vector<16xf32>,
      %swap3A_731 = vector.shape_cast %swap3A_730 : vector<16xf32> to vector<16xf32>
      %swap3A_732 = vector.shape_cast %broadcast_in_dim3A_3 : vector<16xf32> to vector<16xf32>
      tpu.vector_store %arg7[%swap3A_729], %swap3A_732 {strides = array<i32>} : memref<8192xf32, #tpu.memory_space<vmem>>, vector<16xf32>,
      %mul3A_733 = arith.constant 64 : i32
      %mul3A_734 = arith.muli %scan3A_24, %mul3A_733 : i32
      %add3A_735 = arith.constant 32 : i32
      %add3A_736 = arith.addi %mul3A_734, %add3A_735 : i32
      %get3A_737 = arith.index_cast %add3A_736 : i32 to index
      %get3A_738 = tpu.vector_load %arg5[%get3A_737] {strides = array<i32>} : memref<512xi32, #tpu.memory_space<vmem>>, vector<16xi32>,
      %get3A_739 = vector.shape_cast %get3A_738 : vector<16xi32> to vector<16xi32>
      %mul3A_740 = arith.constant 64 : i32
      %mul3A_741 = arith.muli %scan3A_24, %mul3A_740 : i32
      %add3A_742 = arith.constant 32 : i32
      %add3A_743 = arith.addi %mul3A_741, %add3A_742 : i32
      %get3A_744 = arith.index_cast %add3A_743 : i32 to index
      %get3A_745 = tpu.vector_load %arg6[%get3A_744] {strides = array<i32>} : memref<512xi32, #tpu.memory_space<vmem>>, vector<16xi32>,
      %get3A_746 = vector.shape_cast %get3A_745 : vector<16xi32> to vector<16xi32>
      %add3A_747 = arith.constant 10 : i32
      %add3A_748 = vector.broadcast %add3A_747 : i32 to vector<16xi32>
      %add3A_749 = arith.addi %get3A_746, %add3A_748 : vector<16xi32>
      %eq3A_750 = arith.constant 0 : i32
      %eq3A_751 = vector.broadcast %eq3A_750 : i32 to vector<16xi32>
      %eq3A_752 = arith.cmpi eq, %get3A_739, %eq3A_751 : vector<16xi32>
      %eq3A_753 = arith.constant 0 : i32
      %eq3A_754 = vector.broadcast %eq3A_753 : i32 to vector<16xi32>
      %eq3A_755 = arith.cmpi eq, %add3A_749, %eq3A_754 : vector<16xi32>
      %or3A_756 = arith.ori %eq3A_752, %eq3A_755 : vector<16xi1>
      %jit3A_757 = arith.constant 1.000000e+00 : f32
      %jit3A_758 = arith.constant 0.000000e+00 : f32
      %broadcast_in_dim3A_759 = vector.broadcast %jit3A_757 : f32 to vector<16xf32>
      %broadcast_in_dim3A_760 = vector.broadcast %jit3A_758 : f32 to vector<16xf32>
      %select_n3A_761 = arith.select %or3A_756, %broadcast_in_dim3A_759, %broadcast_in_dim3A_760 : vector<16xi1>, vector<16xf32>
      %mul3A_762 = arith.constant 64 : i32
      %mul3A_763 = arith.muli %scan3A_24, %mul3A_762 : i32
      %add3A_764 = arith.constant 0 : i32
      %add3A_765 = arith.addi %add3A_764, %mul3A_763 : i32
      %add3A_766 = arith.constant 32 : i32
      %add3A_767 = arith.addi %add3A_765, %add3A_766 : i32
      %swap3A_768 = arith.index_cast %add3A_767 : i32 to index
      %swap3A_769 = tpu.vector_load %arg7[%swap3A_768] {strides = array<i32>} : memref<8192xf32, #tpu.memory_space<vmem>>, vector<16xf32>,
      %swap3A_770 = vector.shape_cast %swap3A_769 : vector<16xf32> to vector<16xf32>
      %swap3A_771 = vector.shape_cast %select_n3A_761 : vector<16xf32> to vector<16xf32>
      tpu.vector_store %arg7[%swap3A_768], %swap3A_771 {strides = array<i32>} : memref<8192xf32, #tpu.memory_space<vmem>>, vector<16xf32>,
      %eq3A_772 = arith.constant 1 : i32
      %eq3A_773 = vector.broadcast %eq3A_772 : i32 to vector<16xi32>
      %eq3A_774 = arith.cmpi eq, %get3A_739, %eq3A_773 : vector<16xi32>
      %eq3A_775 = arith.constant 1 : i32
      %eq3A_776 = vector.broadcast %eq3A_775 : i32 to vector<16xi32>
      %eq3A_777 = arith.cmpi eq, %add3A_749, %eq3A_776 : vector<16xi32>
      %or3A_778 = arith.ori %eq3A_774, %eq3A_777 : vector<16xi1>
      %jit3A_779 = arith.constant 1.000000e+00 : f32
      %jit3A_780 = arith.constant 0.000000e+00 : f32
      %broadcast_in_dim3A_781 = vector.broadcast %jit3A_779 : f32 to vector<16xf32>
      %broadcast_in_dim3A_782 = vector.broadcast %jit3A_780 : f32 to vector<16xf32>
      %select_n3A_783 = arith.select %or3A_778, %broadcast_in_dim3A_781, %broadcast_in_dim3A_782 : vector<16xi1>, vector<16xf32>
      %mul3A_784 = arith.constant 64 : i32
      %mul3A_785 = arith.muli %scan3A_24, %mul3A_784 : i32
      %add3A_786 = arith.constant 512 : i32
      %add3A_787 = arith.addi %add3A_786, %mul3A_785 : i32
      %add3A_788 = arith.constant 32 : i32
      %add3A_789 = arith.addi %add3A_787, %add3A_788 : i32
      %swap3A_790 = arith.index_cast %add3A_789 : i32 to index
      %swap3A_791 = tpu.vector_load %arg7[%swap3A_790] {strides = array<i32>} : memref<8192xf32, #tpu.memory_space<vmem>>, vector<16xf32>,
      %swap3A_792 = vector.shape_cast %swap3A_791 : vector<16xf32> to vector<16xf32>
      %swap3A_793 = vector.shape_cast %select_n3A_783 : vector<16xf32> to vector<16xf32>
      tpu.vector_store %arg7[%swap3A_790], %swap3A_793 {strides = array<i32>} : memref<8192xf32, #tpu.memory_space<vmem>>, vector<16xf32>,
      %eq3A_794 = arith.constant 2 : i32
      %eq3A_795 = vector.broadcast %eq3A_794 : i32 to vector<16xi32>
      %eq3A_796 = arith.cmpi eq, %get3A_739, %eq3A_795 : vector<16xi32>
      %eq3A_797 = arith.constant 2 : i32
      %eq3A_798 = vector.broadcast %eq3A_797 : i32 to vector<16xi32>
      %eq3A_799 = arith.cmpi eq, %add3A_749, %eq3A_798 : vector<16xi32>
      %or3A_800 = arith.ori %eq3A_796, %eq3A_799 : vector<16xi1>
      %jit3A_801 = arith.constant 1.000000e+00 : f32
      %jit3A_802 = arith.constant 0.000000e+00 : f32
      %broadcast_in_dim3A_803 = vector.broadcast %jit3A_801 : f32 to vector<16xf32>
      %broadcast_in_dim3A_804 = vector.broadcast %jit3A_802 : f32 to vector<16xf32>
      %select_n3A_805 = arith.select %or3A_800, %broadcast_in_dim3A_803, %broadcast_in_dim3A_804 : vector<16xi1>, vector<16xf32>
      %mul3A_806 = arith.constant 64 : i32
      %mul3A_807 = arith.muli %scan3A_24, %mul3A_806 : i32
      %add3A_808 = arith.constant 1024 : i32
      %add3A_809 = arith.addi %add3A_808, %mul3A_807 : i32
      %add3A_810 = arith.constant 32 : i32
      %add3A_811 = arith.addi %add3A_809, %add3A_810 : i32
      %swap3A_812 = arith.index_cast %add3A_811 : i32 to index
      %swap3A_813 = tpu.vector_load %arg7[%swap3A_812] {strides = array<i32>} : memref<8192xf32, #tpu.memory_space<vmem>>, vector<16xf32>,
      %swap3A_814 = vector.shape_cast %swap3A_813 : vector<16xf32> to vector<16xf32>
      %swap3A_815 = vector.shape_cast %select_n3A_805 : vector<16xf32> to vector<16xf32>
      tpu.vector_store %arg7[%swap3A_812], %swap3A_815 {strides = array<i32>} : memref<8192xf32, #tpu.memory_space<vmem>>, vector<16xf32>,
      %eq3A_816 = arith.constant 3 : i32
      %eq3A_817 = vector.broadcast %eq3A_816 : i32 to vector<16xi32>
      %eq3A_818 = arith.cmpi eq, %get3A_739, %eq3A_817 : vector<16xi32>
      %eq3A_819 = arith.constant 3 : i32
      %eq3A_820 = vector.broadcast %eq3A_819 : i32 to vector<16xi32>
      %eq3A_821 = arith.cmpi eq, %add3A_749, %eq3A_820 : vector<16xi32>
      %or3A_822 = arith.ori %eq3A_818, %eq3A_821 : vector<16xi1>
      %jit3A_823 = arith.constant 1.000000e+00 : f32
      %jit3A_824 = arith.constant 0.000000e+00 : f32
      %broadcast_in_dim3A_825 = vector.broadcast %jit3A_823 : f32 to vector<16xf32>
      %broadcast_in_dim3A_826 = vector.broadcast %jit3A_824 : f32 to vector<16xf32>
      %select_n3A_827 = arith.select %or3A_822, %broadcast_in_dim3A_825, %broadcast_in_dim3A_826 : vector<16xi1>, vector<16xf32>
      %mul3A_828 = arith.constant 64 : i32
      %mul3A_829 = arith.muli %scan3A_24, %mul3A_828 : i32
      %add3A_830 = arith.constant 1536 : i32
      %add3A_831 = arith.addi %add3A_830, %mul3A_829 : i32
      %add3A_832 = arith.constant 32 : i32
      %add3A_833 = arith.addi %add3A_831, %add3A_832 : i32
      %swap3A_834 = arith.index_cast %add3A_833 : i32 to index
      %swap3A_835 = tpu.vector_load %arg7[%swap3A_834] {strides = array<i32>} : memref<8192xf32, #tpu.memory_space<vmem>>, vector<16xf32>,
      %swap3A_836 = vector.shape_cast %swap3A_835 : vector<16xf32> to vector<16xf32>
      %swap3A_837 = vector.shape_cast %select_n3A_827 : vector<16xf32> to vector<16xf32>
      tpu.vector_store %arg7[%swap3A_834], %swap3A_837 {strides = array<i32>} : memref<8192xf32, #tpu.memory_space<vmem>>, vector<16xf32>,
      %eq3A_838 = arith.constant 4 : i32
      %eq3A_839 = vector.broadcast %eq3A_838 : i32 to vector<16xi32>
      %eq3A_840 = arith.cmpi eq, %get3A_739, %eq3A_839 : vector<16xi32>
      %eq3A_841 = arith.constant 4 : i32
      %eq3A_842 = vector.broadcast %eq3A_841 : i32 to vector<16xi32>
      %eq3A_843 = arith.cmpi eq, %add3A_749, %eq3A_842 : vector<16xi32>
      %or3A_844 = arith.ori %eq3A_840, %eq3A_843 : vector<16xi1>
      %jit3A_845 = arith.constant 1.000000e+00 : f32
      %jit3A_846 = arith.constant 0.000000e+00 : f32
      %broadcast_in_dim3A_847 = vector.broadcast %jit3A_845 : f32 to vector<16xf32>
      %broadcast_in_dim3A_848 = vector.broadcast %jit3A_846 : f32 to vector<16xf32>
      %select_n3A_849 = arith.select %or3A_844, %broadcast_in_dim3A_847, %broadcast_in_dim3A_848 : vector<16xi1>, vector<16xf32>
      %mul3A_850 = arith.constant 64 : i32
      %mul3A_851 = arith.muli %scan3A_24, %mul3A_850 : i32
      %add3A_852 = arith.constant 2048 : i32
      %add3A_853 = arith.addi %add3A_852, %mul3A_851 : i32
      %add3A_854 = arith.constant 32 : i32
      %add3A_855 = arith.addi %add3A_853, %add3A_854 : i32
      %swap3A_856 = arith.index_cast %add3A_855 : i32 to index
      %swap3A_857 = tpu.vector_load %arg7[%swap3A_856] {strides = array<i32>} : memref<8192xf32, #tpu.memory_space<vmem>>, vector<16xf32>,
      %swap3A_858 = vector.shape_cast %swap3A_857 : vector<16xf32> to vector<16xf32>
      %swap3A_859 = vector.shape_cast %select_n3A_849 : vector<16xf32> to vector<16xf32>
      tpu.vector_store %arg7[%swap3A_856], %swap3A_859 {strides = array<i32>} : memref<8192xf32, #tpu.memory_space<vmem>>, vector<16xf32>,
      %eq3A_860 = arith.constant 5 : i32
      %eq3A_861 = vector.broadcast %eq3A_860 : i32 to vector<16xi32>
      %eq3A_862 = arith.cmpi eq, %get3A_739, %eq3A_861 : vector<16xi32>
      %eq3A_863 = arith.constant 5 : i32
      %eq3A_864 = vector.broadcast %eq3A_863 : i32 to vector<16xi32>
      %eq3A_865 = arith.cmpi eq, %add3A_749, %eq3A_864 : vector<16xi32>
      %or3A_866 = arith.ori %eq3A_862, %eq3A_865 : vector<16xi1>
      %jit3A_867 = arith.constant 1.000000e+00 : f32
      %jit3A_868 = arith.constant 0.000000e+00 : f32
      %broadcast_in_dim3A_869 = vector.broadcast %jit3A_867 : f32 to vector<16xf32>
      %broadcast_in_dim3A_870 = vector.broadcast %jit3A_868 : f32 to vector<16xf32>
      %select_n3A_871 = arith.select %or3A_866, %broadcast_in_dim3A_869, %broadcast_in_dim3A_870 : vector<16xi1>, vector<16xf32>
      %mul3A_872 = arith.constant 64 : i32
      %mul3A_873 = arith.muli %scan3A_24, %mul3A_872 : i32
      %add3A_874 = arith.constant 2560 : i32
      %add3A_875 = arith.addi %add3A_874, %mul3A_873 : i32
      %add3A_876 = arith.constant 32 : i32
      %add3A_877 = arith.addi %add3A_875, %add3A_876 : i32
      %swap3A_878 = arith.index_cast %add3A_877 : i32 to index
      %swap3A_879 = tpu.vector_load %arg7[%swap3A_878] {strides = array<i32>} : memref<8192xf32, #tpu.memory_space<vmem>>, vector<16xf32>,
      %swap3A_880 = vector.shape_cast %swap3A_879 : vector<16xf32> to vector<16xf32>
      %swap3A_881 = vector.shape_cast %select_n3A_871 : vector<16xf32> to vector<16xf32>
      tpu.vector_store %arg7[%swap3A_878], %swap3A_881 {strides = array<i32>} : memref<8192xf32, #tpu.memory_space<vmem>>, vector<16xf32>,
      %eq3A_882 = arith.constant 6 : i32
      %eq3A_883 = vector.broadcast %eq3A_882 : i32 to vector<16xi32>
      %eq3A_884 = arith.cmpi eq, %get3A_739, %eq3A_883 : vector<16xi32>
      %eq3A_885 = arith.constant 6 : i32
      %eq3A_886 = vector.broadcast %eq3A_885 : i32 to vector<16xi32>
      %eq3A_887 = arith.cmpi eq, %add3A_749, %eq3A_886 : vector<16xi32>
      %or3A_888 = arith.ori %eq3A_884, %eq3A_887 : vector<16xi1>
      %jit3A_889 = arith.constant 1.000000e+00 : f32
      %jit3A_890 = arith.constant 0.000000e+00 : f32
      %broadcast_in_dim3A_891 = vector.broadcast %jit3A_889 : f32 to vector<16xf32>
      %broadcast_in_dim3A_892 = vector.broadcast %jit3A_890 : f32 to vector<16xf32>
      %select_n3A_893 = arith.select %or3A_888, %broadcast_in_dim3A_891, %broadcast_in_dim3A_892 : vector<16xi1>, vector<16xf32>
      %mul3A_894 = arith.constant 64 : i32
      %mul3A_895 = arith.muli %scan3A_24, %mul3A_894 : i32
      %add3A_896 = arith.constant 3072 : i32
      %add3A_897 = arith.addi %add3A_896, %mul3A_895 : i32
      %add3A_898 = arith.constant 32 : i32
      %add3A_899 = arith.addi %add3A_897, %add3A_898 : i32
      %swap3A_900 = arith.index_cast %add3A_899 : i32 to index
      %swap3A_901 = tpu.vector_load %arg7[%swap3A_900] {strides = array<i32>} : memref<8192xf32, #tpu.memory_space<vmem>>, vector<16xf32>,
      %swap3A_902 = vector.shape_cast %swap3A_901 : vector<16xf32> to vector<16xf32>
      %swap3A_903 = vector.shape_cast %select_n3A_893 : vector<16xf32> to vector<16xf32>
      tpu.vector_store %arg7[%swap3A_900], %swap3A_903 {strides = array<i32>} : memref<8192xf32, #tpu.memory_space<vmem>>, vector<16xf32>,
      %eq3A_904 = arith.constant 7 : i32
      %eq3A_905 = vector.broadcast %eq3A_904 : i32 to vector<16xi32>
      %eq3A_906 = arith.cmpi eq, %get3A_739, %eq3A_905 : vector<16xi32>
      %eq3A_907 = arith.constant 7 : i32
      %eq3A_908 = vector.broadcast %eq3A_907 : i32 to vector<16xi32>
      %eq3A_909 = arith.cmpi eq, %add3A_749, %eq3A_908 : vector<16xi32>
      %or3A_910 = arith.ori %eq3A_906, %eq3A_909 : vector<16xi1>
      %jit3A_911 = arith.constant 1.000000e+00 : f32
      %jit3A_912 = arith.constant 0.000000e+00 : f32
      %broadcast_in_dim3A_913 = vector.broadcast %jit3A_911 : f32 to vector<16xf32>
      %broadcast_in_dim3A_914 = vector.broadcast %jit3A_912 : f32 to vector<16xf32>
      %select_n3A_915 = arith.select %or3A_910, %broadcast_in_dim3A_913, %broadcast_in_dim3A_914 : vector<16xi1>, vector<16xf32>
      %mul3A_916 = arith.constant 64 : i32
      %mul3A_917 = arith.muli %scan3A_24, %mul3A_916 : i32
      %add3A_918 = arith.constant 3584 : i32
      %add3A_919 = arith.addi %add3A_918, %mul3A_917 : i32
      %add3A_920 = arith.constant 32 : i32
      %add3A_921 = arith.addi %add3A_919, %add3A_920 : i32
      %swap3A_922 = arith.index_cast %add3A_921 : i32 to index
      %swap3A_923 = tpu.vector_load %arg7[%swap3A_922] {strides = array<i32>} : memref<8192xf32, #tpu.memory_space<vmem>>, vector<16xf32>,
      %swap3A_924 = vector.shape_cast %swap3A_923 : vector<16xf32> to vector<16xf32>
      %swap3A_925 = vector.shape_cast %select_n3A_915 : vector<16xf32> to vector<16xf32>
      tpu.vector_store %arg7[%swap3A_922], %swap3A_925 {strides = array<i32>} : memref<8192xf32, #tpu.memory_space<vmem>>, vector<16xf32>,
      %eq3A_926 = arith.constant 8 : i32
      %eq3A_927 = vector.broadcast %eq3A_926 : i32 to vector<16xi32>
      %eq3A_928 = arith.cmpi eq, %get3A_739, %eq3A_927 : vector<16xi32>
      %eq3A_929 = arith.constant 8 : i32
      %eq3A_930 = vector.broadcast %eq3A_929 : i32 to vector<16xi32>
      %eq3A_931 = arith.cmpi eq, %add3A_749, %eq3A_930 : vector<16xi32>
      %or3A_932 = arith.ori %eq3A_928, %eq3A_931 : vector<16xi1>
      %jit3A_933 = arith.constant 1.000000e+00 : f32
      %jit3A_934 = arith.constant 0.000000e+00 : f32
      %broadcast_in_dim3A_935 = vector.broadcast %jit3A_933 : f32 to vector<16xf32>
      %broadcast_in_dim3A_936 = vector.broadcast %jit3A_934 : f32 to vector<16xf32>
      %select_n3A_937 = arith.select %or3A_932, %broadcast_in_dim3A_935, %broadcast_in_dim3A_936 : vector<16xi1>, vector<16xf32>
      %mul3A_938 = arith.constant 64 : i32
      %mul3A_939 = arith.muli %scan3A_24, %mul3A_938 : i32
      %add3A_940 = arith.constant 4096 : i32
      %add3A_941 = arith.addi %add3A_940, %mul3A_939 : i32
      %add3A_942 = arith.constant 32 : i32
      %add3A_943 = arith.addi %add3A_941, %add3A_942 : i32
      %swap3A_944 = arith.index_cast %add3A_943 : i32 to index
      %swap3A_945 = tpu.vector_load %arg7[%swap3A_944] {strides = array<i32>} : memref<8192xf32, #tpu.memory_space<vmem>>, vector<16xf32>,
      %swap3A_946 = vector.shape_cast %swap3A_945 : vector<16xf32> to vector<16xf32>
      %swap3A_947 = vector.shape_cast %select_n3A_937 : vector<16xf32> to vector<16xf32>
      tpu.vector_store %arg7[%swap3A_944], %swap3A_947 {strides = array<i32>} : memref<8192xf32, #tpu.memory_space<vmem>>, vector<16xf32>,
      %eq3A_948 = arith.constant 9 : i32
      %eq3A_949 = vector.broadcast %eq3A_948 : i32 to vector<16xi32>
      %eq3A_950 = arith.cmpi eq, %get3A_739, %eq3A_949 : vector<16xi32>
      %eq3A_951 = arith.constant 9 : i32
      %eq3A_952 = vector.broadcast %eq3A_951 : i32 to vector<16xi32>
      %eq3A_953 = arith.cmpi eq, %add3A_749, %eq3A_952 : vector<16xi32>
      %or3A_954 = arith.ori %eq3A_950, %eq3A_953 : vector<16xi1>
      %jit3A_955 = arith.constant 1.000000e+00 : f32
      %jit3A_956 = arith.constant 0.000000e+00 : f32
      %broadcast_in_dim3A_957 = vector.broadcast %jit3A_955 : f32 to vector<16xf32>
      %broadcast_in_dim3A_958 = vector.broadcast %jit3A_956 : f32 to vector<16xf32>
      %select_n3A_959 = arith.select %or3A_954, %broadcast_in_dim3A_957, %broadcast_in_dim3A_958 : vector<16xi1>, vector<16xf32>
      %mul3A_960 = arith.constant 64 : i32
      %mul3A_961 = arith.muli %scan3A_24, %mul3A_960 : i32
      %add3A_962 = arith.constant 4608 : i32
      %add3A_963 = arith.addi %add3A_962, %mul3A_961 : i32
      %add3A_964 = arith.constant 32 : i32
      %add3A_965 = arith.addi %add3A_963, %add3A_964 : i32
      %swap3A_966 = arith.index_cast %add3A_965 : i32 to index
      %swap3A_967 = tpu.vector_load %arg7[%swap3A_966] {strides = array<i32>} : memref<8192xf32, #tpu.memory_space<vmem>>, vector<16xf32>,
      %swap3A_968 = vector.shape_cast %swap3A_967 : vector<16xf32> to vector<16xf32>
      %swap3A_969 = vector.shape_cast %select_n3A_959 : vector<16xf32> to vector<16xf32>
      tpu.vector_store %arg7[%swap3A_966], %swap3A_969 {strides = array<i32>} : memref<8192xf32, #tpu.memory_space<vmem>>, vector<16xf32>,
      %eq3A_970 = arith.constant 10 : i32
      %eq3A_971 = vector.broadcast %eq3A_970 : i32 to vector<16xi32>
      %eq3A_972 = arith.cmpi eq, %get3A_739, %eq3A_971 : vector<16xi32>
      %eq3A_973 = arith.constant 10 : i32
      %eq3A_974 = vector.broadcast %eq3A_973 : i32 to vector<16xi32>
      %eq3A_975 = arith.cmpi eq, %add3A_749, %eq3A_974 : vector<16xi32>
      %or3A_976 = arith.ori %eq3A_972, %eq3A_975 : vector<16xi1>
      %jit3A_977 = arith.constant 1.000000e+00 : f32
      %jit3A_978 = arith.constant 0.000000e+00 : f32
      %broadcast_in_dim3A_979 = vector.broadcast %jit3A_977 : f32 to vector<16xf32>
      %broadcast_in_dim3A_980 = vector.broadcast %jit3A_978 : f32 to vector<16xf32>
      %select_n3A_981 = arith.select %or3A_976, %broadcast_in_dim3A_979, %broadcast_in_dim3A_980 : vector<16xi1>, vector<16xf32>
      %mul3A_982 = arith.constant 64 : i32
      %mul3A_983 = arith.muli %scan3A_24, %mul3A_982 : i32
      %add3A_984 = arith.constant 5120 : i32
      %add3A_985 = arith.addi %add3A_984, %mul3A_983 : i32
      %add3A_986 = arith.constant 32 : i32
      %add3A_987 = arith.addi %add3A_985, %add3A_986 : i32
      %swap3A_988 = arith.index_cast %add3A_987 : i32 to index
      %swap3A_989 = tpu.vector_load %arg7[%swap3A_988] {strides = array<i32>} : memref<8192xf32, #tpu.memory_space<vmem>>, vector<16xf32>,
      %swap3A_990 = vector.shape_cast %swap3A_989 : vector<16xf32> to vector<16xf32>
      %swap3A_991 = vector.shape_cast %select_n3A_981 : vector<16xf32> to vector<16xf32>
      tpu.vector_store %arg7[%swap3A_988], %swap3A_991 {strides = array<i32>} : memref<8192xf32, #tpu.memory_space<vmem>>, vector<16xf32>,
      %eq3A_992 = arith.constant 11 : i32
      %eq3A_993 = vector.broadcast %eq3A_992 : i32 to vector<16xi32>
      %eq3A_994 = arith.cmpi eq, %get3A_739, %eq3A_993 : vector<16xi32>
      %eq3A_995 = arith.constant 11 : i32
      %eq3A_996 = vector.broadcast %eq3A_995 : i32 to vector<16xi32>
      %eq3A_997 = arith.cmpi eq, %add3A_749, %eq3A_996 : vector<16xi32>
      %or3A_998 = arith.ori %eq3A_994, %eq3A_997 : vector<16xi1>
      %jit3A_999 = arith.constant 1.000000e+00 : f32
      %jit3A_1000 = arith.constant 0.000000e+00 : f32
      %broadcast_in_dim3A_1001 = vector.broadcast %jit3A_999 : f32 to vector<16xf32>
      %broadcast_in_dim3A_1002 = vector.broadcast %jit3A_1000 : f32 to vector<16xf32>
      %select_n3A_1003 = arith.select %or3A_998, %broadcast_in_dim3A_1001, %broadcast_in_dim3A_1002 : vector<16xi1>, vector<16xf32>
      %mul3A_1004 = arith.constant 64 : i32
      %mul3A_1005 = arith.muli %scan3A_24, %mul3A_1004 : i32
      %add3A_1006 = arith.constant 5632 : i32
      %add3A_1007 = arith.addi %add3A_1006, %mul3A_1005 : i32
      %add3A_1008 = arith.constant 32 : i32
      %add3A_1009 = arith.addi %add3A_1007, %add3A_1008 : i32
      %swap3A_1010 = arith.index_cast %add3A_1009 : i32 to index
      %swap3A_1011 = tpu.vector_load %arg7[%swap3A_1010] {strides = array<i32>} : memref<8192xf32, #tpu.memory_space<vmem>>, vector<16xf32>,
      %swap3A_1012 = vector.shape_cast %swap3A_1011 : vector<16xf32> to vector<16xf32>
      %swap3A_1013 = vector.shape_cast %select_n3A_1003 : vector<16xf32> to vector<16xf32>
      tpu.vector_store %arg7[%swap3A_1010], %swap3A_1013 {strides = array<i32>} : memref<8192xf32, #tpu.memory_space<vmem>>, vector<16xf32>,
      %eq3A_1014 = arith.constant 12 : i32
      %eq3A_1015 = vector.broadcast %eq3A_1014 : i32 to vector<16xi32>
      %eq3A_1016 = arith.cmpi eq, %get3A_739, %eq3A_1015 : vector<16xi32>
      %eq3A_1017 = arith.constant 12 : i32
      %eq3A_1018 = vector.broadcast %eq3A_1017 : i32 to vector<16xi32>
      %eq3A_1019 = arith.cmpi eq, %add3A_749, %eq3A_1018 : vector<16xi32>
      %or3A_1020 = arith.ori %eq3A_1016, %eq3A_1019 : vector<16xi1>
      %jit3A_1021 = arith.constant 1.000000e+00 : f32
      %jit3A_1022 = arith.constant 0.000000e+00 : f32
      %broadcast_in_dim3A_1023 = vector.broadcast %jit3A_1021 : f32 to vector<16xf32>
      %broadcast_in_dim3A_1024 = vector.broadcast %jit3A_1022 : f32 to vector<16xf32>
      %select_n3A_1025 = arith.select %or3A_1020, %broadcast_in_dim3A_1023, %broadcast_in_dim3A_1024 : vector<16xi1>, vector<16xf32>
      %mul3A_1026 = arith.constant 64 : i32
      %mul3A_1027 = arith.muli %scan3A_24, %mul3A_1026 : i32
      %add3A_1028 = arith.constant 6144 : i32
      %add3A_1029 = arith.addi %add3A_1028, %mul3A_1027 : i32
      %add3A_1030 = arith.constant 32 : i32
      %add3A_1031 = arith.addi %add3A_1029, %add3A_1030 : i32
      %swap3A_1032 = arith.index_cast %add3A_1031 : i32 to index
      %swap3A_1033 = tpu.vector_load %arg7[%swap3A_1032] {strides = array<i32>} : memref<8192xf32, #tpu.memory_space<vmem>>, vector<16xf32>,
      %swap3A_1034 = vector.shape_cast %swap3A_1033 : vector<16xf32> to vector<16xf32>
      %swap3A_1035 = vector.shape_cast %select_n3A_1025 : vector<16xf32> to vector<16xf32>
      tpu.vector_store %arg7[%swap3A_1032], %swap3A_1035 {strides = array<i32>} : memref<8192xf32, #tpu.memory_space<vmem>>, vector<16xf32>,
      %eq3A_1036 = arith.constant 13 : i32
      %eq3A_1037 = vector.broadcast %eq3A_1036 : i32 to vector<16xi32>
      %eq3A_1038 = arith.cmpi eq, %get3A_739, %eq3A_1037 : vector<16xi32>
      %eq3A_1039 = arith.constant 13 : i32
      %eq3A_1040 = vector.broadcast %eq3A_1039 : i32 to vector<16xi32>
      %eq3A_1041 = arith.cmpi eq, %add3A_749, %eq3A_1040 : vector<16xi32>
      %or3A_1042 = arith.ori %eq3A_1038, %eq3A_1041 : vector<16xi1>
      %jit3A_1043 = arith.constant 1.000000e+00 : f32
      %jit3A_1044 = arith.constant 0.000000e+00 : f32
      %broadcast_in_dim3A_1045 = vector.broadcast %jit3A_1043 : f32 to vector<16xf32>
      %broadcast_in_dim3A_1046 = vector.broadcast %jit3A_1044 : f32 to vector<16xf32>
      %select_n3A_1047 = arith.select %or3A_1042, %broadcast_in_dim3A_1045, %broadcast_in_dim3A_1046 : vector<16xi1>, vector<16xf32>
      %mul3A_1048 = arith.constant 64 : i32
      %mul3A_1049 = arith.muli %scan3A_24, %mul3A_1048 : i32
      %add3A_1050 = arith.constant 6656 : i32
      %add3A_1051 = arith.addi %add3A_1050, %mul3A_1049 : i32
      %add3A_1052 = arith.constant 32 : i32
      %add3A_1053 = arith.addi %add3A_1051, %add3A_1052 : i32
      %swap3A_1054 = arith.index_cast %add3A_1053 : i32 to index
      %swap3A_1055 = tpu.vector_load %arg7[%swap3A_1054] {strides = array<i32>} : memref<8192xf32, #tpu.memory_space<vmem>>, vector<16xf32>,
      %swap3A_1056 = vector.shape_cast %swap3A_1055 : vector<16xf32> to vector<16xf32>
      %swap3A_1057 = vector.shape_cast %select_n3A_1047 : vector<16xf32> to vector<16xf32>
      tpu.vector_store %arg7[%swap3A_1054], %swap3A_1057 {strides = array<i32>} : memref<8192xf32, #tpu.memory_space<vmem>>, vector<16xf32>,
      %eq3A_1058 = arith.constant 14 : i32
      %eq3A_1059 = vector.broadcast %eq3A_1058 : i32 to vector<16xi32>
      %eq3A_1060 = arith.cmpi eq, %get3A_739, %eq3A_1059 : vector<16xi32>
      %eq3A_1061 = arith.constant 14 : i32
      %eq3A_1062 = vector.broadcast %eq3A_1061 : i32 to vector<16xi32>
      %eq3A_1063 = arith.cmpi eq, %add3A_749, %eq3A_1062 : vector<16xi32>
      %or3A_1064 = arith.ori %eq3A_1060, %eq3A_1063 : vector<16xi1>
      %jit3A_1065 = arith.constant 1.000000e+00 : f32
      %jit3A_1066 = arith.constant 0.000000e+00 : f32
      %broadcast_in_dim3A_1067 = vector.broadcast %jit3A_1065 : f32 to vector<16xf32>
      %broadcast_in_dim3A_1068 = vector.broadcast %jit3A_1066 : f32 to vector<16xf32>
      %select_n3A_1069 = arith.select %or3A_1064, %broadcast_in_dim3A_1067, %broadcast_in_dim3A_1068 : vector<16xi1>, vector<16xf32>
      %mul3A_1070 = arith.constant 64 : i32
      %mul3A_1071 = arith.muli %scan3A_24, %mul3A_1070 : i32
      %add3A_1072 = arith.constant 7168 : i32
      %add3A_1073 = arith.addi %add3A_1072, %mul3A_1071 : i32
      %add3A_1074 = arith.constant 32 : i32
      %add3A_1075 = arith.addi %add3A_1073, %add3A_1074 : i32
      %swap3A_1076 = arith.index_cast %add3A_1075 : i32 to index
      %swap3A_1077 = tpu.vector_load %arg7[%swap3A_1076] {strides = array<i32>} : memref<8192xf32, #tpu.memory_space<vmem>>, vector<16xf32>,
      %swap3A_1078 = vector.shape_cast %swap3A_1077 : vector<16xf32> to vector<16xf32>
      %swap3A_1079 = vector.shape_cast %select_n3A_1069 : vector<16xf32> to vector<16xf32>
      tpu.vector_store %arg7[%swap3A_1076], %swap3A_1079 {strides = array<i32>} : memref<8192xf32, #tpu.memory_space<vmem>>, vector<16xf32>,
      %mul3A_1080 = arith.constant 64 : i32
      %mul3A_1081 = arith.muli %scan3A_24, %mul3A_1080 : i32
      %add3A_1082 = arith.constant 7680 : i32
      %add3A_1083 = arith.addi %add3A_1082, %mul3A_1081 : i32
      %add3A_1084 = arith.constant 32 : i32
      %add3A_1085 = arith.addi %add3A_1083, %add3A_1084 : i32
      %swap3A_1086 = arith.index_cast %add3A_1085 : i32 to index
      %swap3A_1087 = tpu.vector_load %arg7[%swap3A_1086] {strides = array<i32>} : memref<8192xf32, #tpu.memory_space<vmem>>, vector<16xf32>,
      %swap3A_1088 = vector.shape_cast %swap3A_1087 : vector<16xf32> to vector<16xf32>
      %swap3A_1089 = vector.shape_cast %broadcast_in_dim3A_3 : vector<16xf32> to vector<16xf32>
      tpu.vector_store %arg7[%swap3A_1086], %swap3A_1089 {strides = array<i32>} : memref<8192xf32, #tpu.memory_space<vmem>>, vector<16xf32>,
      %mul3A_1090 = arith.constant 64 : i32
      %mul3A_1091 = arith.muli %scan3A_24, %mul3A_1090 : i32
      %add3A_1092 = arith.constant 48 : i32
      %add3A_1093 = arith.addi %mul3A_1091, %add3A_1092 : i32
      %get3A_1094 = arith.index_cast %add3A_1093 : i32 to index
      %get3A_1095 = tpu.vector_load %arg5[%get3A_1094] {strides = array<i32>} : memref<512xi32, #tpu.memory_space<vmem>>, vector<16xi32>,
      %get3A_1096 = vector.shape_cast %get3A_1095 : vector<16xi32> to vector<16xi32>
      %mul3A_1097 = arith.constant 64 : i32
      %mul3A_1098 = arith.muli %scan3A_24, %mul3A_1097 : i32
      %add3A_1099 = arith.constant 48 : i32
      %add3A_1100 = arith.addi %mul3A_1098, %add3A_1099 : i32
      %get3A_1101 = arith.index_cast %add3A_1100 : i32 to index
      %get3A_1102 = tpu.vector_load %arg6[%get3A_1101] {strides = array<i32>} : memref<512xi32, #tpu.memory_space<vmem>>, vector<16xi32>,
      %get3A_1103 = vector.shape_cast %get3A_1102 : vector<16xi32> to vector<16xi32>
      %add3A_1104 = arith.constant 10 : i32
      %add3A_1105 = vector.broadcast %add3A_1104 : i32 to vector<16xi32>
      %add3A_1106 = arith.addi %get3A_1103, %add3A_1105 : vector<16xi32>
      %eq3A_1107 = arith.constant 0 : i32
      %eq3A_1108 = vector.broadcast %eq3A_1107 : i32 to vector<16xi32>
      %eq3A_1109 = arith.cmpi eq, %get3A_1096, %eq3A_1108 : vector<16xi32>
      %eq3A_1110 = arith.constant 0 : i32
      %eq3A_1111 = vector.broadcast %eq3A_1110 : i32 to vector<16xi32>
      %eq3A_1112 = arith.cmpi eq, %add3A_1106, %eq3A_1111 : vector<16xi32>
      %or3A_1113 = arith.ori %eq3A_1109, %eq3A_1112 : vector<16xi1>
      %jit3A_1114 = arith.constant 1.000000e+00 : f32
      %jit3A_1115 = arith.constant 0.000000e+00 : f32
      %broadcast_in_dim3A_1116 = vector.broadcast %jit3A_1114 : f32 to vector<16xf32>
      %broadcast_in_dim3A_1117 = vector.broadcast %jit3A_1115 : f32 to vector<16xf32>
      %select_n3A_1118 = arith.select %or3A_1113, %broadcast_in_dim3A_1116, %broadcast_in_dim3A_1117 : vector<16xi1>, vector<16xf32>
      %mul3A_1119 = arith.constant 64 : i32
      %mul3A_1120 = arith.muli %scan3A_24, %mul3A_1119 : i32
      %add3A_1121 = arith.constant 0 : i32
      %add3A_1122 = arith.addi %add3A_1121, %mul3A_1120 : i32
      %add3A_1123 = arith.constant 48 : i32
      %add3A_1124 = arith.addi %add3A_1122, %add3A_1123 : i32
      %swap3A_1125 = arith.index_cast %add3A_1124 : i32 to index
      %swap3A_1126 = tpu.vector_load %arg7[%swap3A_1125] {strides = array<i32>} : memref<8192xf32, #tpu.memory_space<vmem>>, vector<16xf32>,
      %swap3A_1127 = vector.shape_cast %swap3A_1126 : vector<16xf32> to vector<16xf32>
      %swap3A_1128 = vector.shape_cast %select_n3A_1118 : vector<16xf32> to vector<16xf32>
      tpu.vector_store %arg7[%swap3A_1125], %swap3A_1128 {strides = array<i32>} : memref<8192xf32, #tpu.memory_space<vmem>>, vector<16xf32>,
      %eq3A_1129 = arith.constant 1 : i32
      %eq3A_1130 = vector.broadcast %eq3A_1129 : i32 to vector<16xi32>
      %eq3A_1131 = arith.cmpi eq, %get3A_1096, %eq3A_1130 : vector<16xi32>
      %eq3A_1132 = arith.constant 1 : i32
      %eq3A_1133 = vector.broadcast %eq3A_1132 : i32 to vector<16xi32>
      %eq3A_1134 = arith.cmpi eq, %add3A_1106, %eq3A_1133 : vector<16xi32>
      %or3A_1135 = arith.ori %eq3A_1131, %eq3A_1134 : vector<16xi1>
      %jit3A_1136 = arith.constant 1.000000e+00 : f32
      %jit3A_1137 = arith.constant 0.000000e+00 : f32
      %broadcast_in_dim3A_1138 = vector.broadcast %jit3A_1136 : f32 to vector<16xf32>
      %broadcast_in_dim3A_1139 = vector.broadcast %jit3A_1137 : f32 to vector<16xf32>
      %select_n3A_1140 = arith.select %or3A_1135, %broadcast_in_dim3A_1138, %broadcast_in_dim3A_1139 : vector<16xi1>, vector<16xf32>
      %mul3A_1141 = arith.constant 64 : i32
      %mul3A_1142 = arith.muli %scan3A_24, %mul3A_1141 : i32
      %add3A_1143 = arith.constant 512 : i32
      %add3A_1144 = arith.addi %add3A_1143, %mul3A_1142 : i32
      %add3A_1145 = arith.constant 48 : i32
      %add3A_1146 = arith.addi %add3A_1144, %add3A_1145 : i32
      %swap3A_1147 = arith.index_cast %add3A_1146 : i32 to index
      %swap3A_1148 = tpu.vector_load %arg7[%swap3A_1147] {strides = array<i32>} : memref<8192xf32, #tpu.memory_space<vmem>>, vector<16xf32>,
      %swap3A_1149 = vector.shape_cast %swap3A_1148 : vector<16xf32> to vector<16xf32>
      %swap3A_1150 = vector.shape_cast %select_n3A_1140 : vector<16xf32> to vector<16xf32>
      tpu.vector_store %arg7[%swap3A_1147], %swap3A_1150 {strides = array<i32>} : memref<8192xf32, #tpu.memory_space<vmem>>, vector<16xf32>,
      %eq3A_1151 = arith.constant 2 : i32
      %eq3A_1152 = vector.broadcast %eq3A_1151 : i32 to vector<16xi32>
      %eq3A_1153 = arith.cmpi eq, %get3A_1096, %eq3A_1152 : vector<16xi32>
      %eq3A_1154 = arith.constant 2 : i32
      %eq3A_1155 = vector.broadcast %eq3A_1154 : i32 to vector<16xi32>
      %eq3A_1156 = arith.cmpi eq, %add3A_1106, %eq3A_1155 : vector<16xi32>
      %or3A_1157 = arith.ori %eq3A_1153, %eq3A_1156 : vector<16xi1>
      %jit3A_1158 = arith.constant 1.000000e+00 : f32
      %jit3A_1159 = arith.constant 0.000000e+00 : f32
      %broadcast_in_dim3A_1160 = vector.broadcast %jit3A_1158 : f32 to vector<16xf32>
      %broadcast_in_dim3A_1161 = vector.broadcast %jit3A_1159 : f32 to vector<16xf32>
      %select_n3A_1162 = arith.select %or3A_1157, %broadcast_in_dim3A_1160, %broadcast_in_dim3A_1161 : vector<16xi1>, vector<16xf32>
      %mul3A_1163 = arith.constant 64 : i32
      %mul3A_1164 = arith.muli %scan3A_24, %mul3A_1163 : i32
      %add3A_1165 = arith.constant 1024 : i32
      %add3A_1166 = arith.addi %add3A_1165, %mul3A_1164 : i32
      %add3A_1167 = arith.constant 48 : i32
      %add3A_1168 = arith.addi %add3A_1166, %add3A_1167 : i32
      %swap3A_1169 = arith.index_cast %add3A_1168 : i32 to index
      %swap3A_1170 = tpu.vector_load %arg7[%swap3A_1169] {strides = array<i32>} : memref<8192xf32, #tpu.memory_space<vmem>>, vector<16xf32>,
      %swap3A_1171 = vector.shape_cast %swap3A_1170 : vector<16xf32> to vector<16xf32>
      %swap3A_1172 = vector.shape_cast %select_n3A_1162 : vector<16xf32> to vector<16xf32>
      tpu.vector_store %arg7[%swap3A_1169], %swap3A_1172 {strides = array<i32>} : memref<8192xf32, #tpu.memory_space<vmem>>, vector<16xf32>,
      %eq3A_1173 = arith.constant 3 : i32
      %eq3A_1174 = vector.broadcast %eq3A_1173 : i32 to vector<16xi32>
      %eq3A_1175 = arith.cmpi eq, %get3A_1096, %eq3A_1174 : vector<16xi32>
      %eq3A_1176 = arith.constant 3 : i32
      %eq3A_1177 = vector.broadcast %eq3A_1176 : i32 to vector<16xi32>
      %eq3A_1178 = arith.cmpi eq, %add3A_1106, %eq3A_1177 : vector<16xi32>
      %or3A_1179 = arith.ori %eq3A_1175, %eq3A_1178 : vector<16xi1>
      %jit3A_1180 = arith.constant 1.000000e+00 : f32
      %jit3A_1181 = arith.constant 0.000000e+00 : f32
      %broadcast_in_dim3A_1182 = vector.broadcast %jit3A_1180 : f32 to vector<16xf32>
      %broadcast_in_dim3A_1183 = vector.broadcast %jit3A_1181 : f32 to vector<16xf32>
      %select_n3A_1184 = arith.select %or3A_1179, %broadcast_in_dim3A_1182, %broadcast_in_dim3A_1183 : vector<16xi1>, vector<16xf32>
      %mul3A_1185 = arith.constant 64 : i32
      %mul3A_1186 = arith.muli %scan3A_24, %mul3A_1185 : i32
      %add3A_1187 = arith.constant 1536 : i32
      %add3A_1188 = arith.addi %add3A_1187, %mul3A_1186 : i32
      %add3A_1189 = arith.constant 48 : i32
      %add3A_1190 = arith.addi %add3A_1188, %add3A_1189 : i32
      %swap3A_1191 = arith.index_cast %add3A_1190 : i32 to index
      %swap3A_1192 = tpu.vector_load %arg7[%swap3A_1191] {strides = array<i32>} : memref<8192xf32, #tpu.memory_space<vmem>>, vector<16xf32>,
      %swap3A_1193 = vector.shape_cast %swap3A_1192 : vector<16xf32> to vector<16xf32>
      %swap3A_1194 = vector.shape_cast %select_n3A_1184 : vector<16xf32> to vector<16xf32>
      tpu.vector_store %arg7[%swap3A_1191], %swap3A_1194 {strides = array<i32>} : memref<8192xf32, #tpu.memory_space<vmem>>, vector<16xf32>,
      %eq3A_1195 = arith.constant 4 : i32
      %eq3A_1196 = vector.broadcast %eq3A_1195 : i32 to vector<16xi32>
      %eq3A_1197 = arith.cmpi eq, %get3A_1096, %eq3A_1196 : vector<16xi32>
      %eq3A_1198 = arith.constant 4 : i32
      %eq3A_1199 = vector.broadcast %eq3A_1198 : i32 to vector<16xi32>
      %eq3A_1200 = arith.cmpi eq, %add3A_1106, %eq3A_1199 : vector<16xi32>
      %or3A_1201 = arith.ori %eq3A_1197, %eq3A_1200 : vector<16xi1>
      %jit3A_1202 = arith.constant 1.000000e+00 : f32
      %jit3A_1203 = arith.constant 0.000000e+00 : f32
      %broadcast_in_dim3A_1204 = vector.broadcast %jit3A_1202 : f32 to vector<16xf32>
      %broadcast_in_dim3A_1205 = vector.broadcast %jit3A_1203 : f32 to vector<16xf32>
      %select_n3A_1206 = arith.select %or3A_1201, %broadcast_in_dim3A_1204, %broadcast_in_dim3A_1205 : vector<16xi1>, vector<16xf32>
      %mul3A_1207 = arith.constant 64 : i32
      %mul3A_1208 = arith.muli %scan3A_24, %mul3A_1207 : i32
      %add3A_1209 = arith.constant 2048 : i32
      %add3A_1210 = arith.addi %add3A_1209, %mul3A_1208 : i32
      %add3A_1211 = arith.constant 48 : i32
      %add3A_1212 = arith.addi %add3A_1210, %add3A_1211 : i32
      %swap3A_1213 = arith.index_cast %add3A_1212 : i32 to index
      %swap3A_1214 = tpu.vector_load %arg7[%swap3A_1213] {strides = array<i32>} : memref<8192xf32, #tpu.memory_space<vmem>>, vector<16xf32>,
      %swap3A_1215 = vector.shape_cast %swap3A_1214 : vector<16xf32> to vector<16xf32>
      %swap3A_1216 = vector.shape_cast %select_n3A_1206 : vector<16xf32> to vector<16xf32>
      tpu.vector_store %arg7[%swap3A_1213], %swap3A_1216 {strides = array<i32>} : memref<8192xf32, #tpu.memory_space<vmem>>, vector<16xf32>,
      %eq3A_1217 = arith.constant 5 : i32
      %eq3A_1218 = vector.broadcast %eq3A_1217 : i32 to vector<16xi32>
      %eq3A_1219 = arith.cmpi eq, %get3A_1096, %eq3A_1218 : vector<16xi32>
      %eq3A_1220 = arith.constant 5 : i32
      %eq3A_1221 = vector.broadcast %eq3A_1220 : i32 to vector<16xi32>
      %eq3A_1222 = arith.cmpi eq, %add3A_1106, %eq3A_1221 : vector<16xi32>
      %or3A_1223 = arith.ori %eq3A_1219, %eq3A_1222 : vector<16xi1>
      %jit3A_1224 = arith.constant 1.000000e+00 : f32
      %jit3A_1225 = arith.constant 0.000000e+00 : f32
      %broadcast_in_dim3A_1226 = vector.broadcast %jit3A_1224 : f32 to vector<16xf32>
      %broadcast_in_dim3A_1227 = vector.broadcast %jit3A_1225 : f32 to vector<16xf32>
      %select_n3A_1228 = arith.select %or3A_1223, %broadcast_in_dim3A_1226, %broadcast_in_dim3A_1227 : vector<16xi1>, vector<16xf32>
      %mul3A_1229 = arith.constant 64 : i32
      %mul3A_1230 = arith.muli %scan3A_24, %mul3A_1229 : i32
      %add3A_1231 = arith.constant 2560 : i32
      %add3A_1232 = arith.addi %add3A_1231, %mul3A_1230 : i32
      %add3A_1233 = arith.constant 48 : i32
      %add3A_1234 = arith.addi %add3A_1232, %add3A_1233 : i32
      %swap3A_1235 = arith.index_cast %add3A_1234 : i32 to index
      %swap3A_1236 = tpu.vector_load %arg7[%swap3A_1235] {strides = array<i32>} : memref<8192xf32, #tpu.memory_space<vmem>>, vector<16xf32>,
      %swap3A_1237 = vector.shape_cast %swap3A_1236 : vector<16xf32> to vector<16xf32>
      %swap3A_1238 = vector.shape_cast %select_n3A_1228 : vector<16xf32> to vector<16xf32>
      tpu.vector_store %arg7[%swap3A_1235], %swap3A_1238 {strides = array<i32>} : memref<8192xf32, #tpu.memory_space<vmem>>, vector<16xf32>,
      %eq3A_1239 = arith.constant 6 : i32
      %eq3A_1240 = vector.broadcast %eq3A_1239 : i32 to vector<16xi32>
      %eq3A_1241 = arith.cmpi eq, %get3A_1096, %eq3A_1240 : vector<16xi32>
      %eq3A_1242 = arith.constant 6 : i32
      %eq3A_1243 = vector.broadcast %eq3A_1242 : i32 to vector<16xi32>
      %eq3A_1244 = arith.cmpi eq, %add3A_1106, %eq3A_1243 : vector<16xi32>
      %or3A_1245 = arith.ori %eq3A_1241, %eq3A_1244 : vector<16xi1>
      %jit3A_1246 = arith.constant 1.000000e+00 : f32
      %jit3A_1247 = arith.constant 0.000000e+00 : f32
      %broadcast_in_dim3A_1248 = vector.broadcast %jit3A_1246 : f32 to vector<16xf32>
      %broadcast_in_dim3A_1249 = vector.broadcast %jit3A_1247 : f32 to vector<16xf32>
      %select_n3A_1250 = arith.select %or3A_1245, %broadcast_in_dim3A_1248, %broadcast_in_dim3A_1249 : vector<16xi1>, vector<16xf32>
      %mul3A_1251 = arith.constant 64 : i32
      %mul3A_1252 = arith.muli %scan3A_24, %mul3A_1251 : i32
      %add3A_1253 = arith.constant 3072 : i32
      %add3A_1254 = arith.addi %add3A_1253, %mul3A_1252 : i32
      %add3A_1255 = arith.constant 48 : i32
      %add3A_1256 = arith.addi %add3A_1254, %add3A_1255 : i32
      %swap3A_1257 = arith.index_cast %add3A_1256 : i32 to index
      %swap3A_1258 = tpu.vector_load %arg7[%swap3A_1257] {strides = array<i32>} : memref<8192xf32, #tpu.memory_space<vmem>>, vector<16xf32>,
      %swap3A_1259 = vector.shape_cast %swap3A_1258 : vector<16xf32> to vector<16xf32>
      %swap3A_1260 = vector.shape_cast %select_n3A_1250 : vector<16xf32> to vector<16xf32>
      tpu.vector_store %arg7[%swap3A_1257], %swap3A_1260 {strides = array<i32>} : memref<8192xf32, #tpu.memory_space<vmem>>, vector<16xf32>,
      %eq3A_1261 = arith.constant 7 : i32
      %eq3A_1262 = vector.broadcast %eq3A_1261 : i32 to vector<16xi32>
      %eq3A_1263 = arith.cmpi eq, %get3A_1096, %eq3A_1262 : vector<16xi32>
      %eq3A_1264 = arith.constant 7 : i32
      %eq3A_1265 = vector.broadcast %eq3A_1264 : i32 to vector<16xi32>
      %eq3A_1266 = arith.cmpi eq, %add3A_1106, %eq3A_1265 : vector<16xi32>
      %or3A_1267 = arith.ori %eq3A_1263, %eq3A_1266 : vector<16xi1>
      %jit3A_1268 = arith.constant 1.000000e+00 : f32
      %jit3A_1269 = arith.constant 0.000000e+00 : f32
      %broadcast_in_dim3A_1270 = vector.broadcast %jit3A_1268 : f32 to vector<16xf32>
      %broadcast_in_dim3A_1271 = vector.broadcast %jit3A_1269 : f32 to vector<16xf32>
      %select_n3A_1272 = arith.select %or3A_1267, %broadcast_in_dim3A_1270, %broadcast_in_dim3A_1271 : vector<16xi1>, vector<16xf32>
      %mul3A_1273 = arith.constant 64 : i32
      %mul3A_1274 = arith.muli %scan3A_24, %mul3A_1273 : i32
      %add3A_1275 = arith.constant 3584 : i32
      %add3A_1276 = arith.addi %add3A_1275, %mul3A_1274 : i32
      %add3A_1277 = arith.constant 48 : i32
      %add3A_1278 = arith.addi %add3A_1276, %add3A_1277 : i32
      %swap3A_1279 = arith.index_cast %add3A_1278 : i32 to index
      %swap3A_1280 = tpu.vector_load %arg7[%swap3A_1279] {strides = array<i32>} : memref<8192xf32, #tpu.memory_space<vmem>>, vector<16xf32>,
      %swap3A_1281 = vector.shape_cast %swap3A_1280 : vector<16xf32> to vector<16xf32>
      %swap3A_1282 = vector.shape_cast %select_n3A_1272 : vector<16xf32> to vector<16xf32>
      tpu.vector_store %arg7[%swap3A_1279], %swap3A_1282 {strides = array<i32>} : memref<8192xf32, #tpu.memory_space<vmem>>, vector<16xf32>,
      %eq3A_1283 = arith.constant 8 : i32
      %eq3A_1284 = vector.broadcast %eq3A_1283 : i32 to vector<16xi32>
      %eq3A_1285 = arith.cmpi eq, %get3A_1096, %eq3A_1284 : vector<16xi32>
      %eq3A_1286 = arith.constant 8 : i32
      %eq3A_1287 = vector.broadcast %eq3A_1286 : i32 to vector<16xi32>
      %eq3A_1288 = arith.cmpi eq, %add3A_1106, %eq3A_1287 : vector<16xi32>
      %or3A_1289 = arith.ori %eq3A_1285, %eq3A_1288 : vector<16xi1>
      %jit3A_1290 = arith.constant 1.000000e+00 : f32
      %jit3A_1291 = arith.constant 0.000000e+00 : f32
      %broadcast_in_dim3A_1292 = vector.broadcast %jit3A_1290 : f32 to vector<16xf32>
      %broadcast_in_dim3A_1293 = vector.broadcast %jit3A_1291 : f32 to vector<16xf32>
      %select_n3A_1294 = arith.select %or3A_1289, %broadcast_in_dim3A_1292, %broadcast_in_dim3A_1293 : vector<16xi1>, vector<16xf32>
      %mul3A_1295 = arith.constant 64 : i32
      %mul3A_1296 = arith.muli %scan3A_24, %mul3A_1295 : i32
      %add3A_1297 = arith.constant 4096 : i32
      %add3A_1298 = arith.addi %add3A_1297, %mul3A_1296 : i32
      %add3A_1299 = arith.constant 48 : i32
      %add3A_1300 = arith.addi %add3A_1298, %add3A_1299 : i32
      %swap3A_1301 = arith.index_cast %add3A_1300 : i32 to index
      %swap3A_1302 = tpu.vector_load %arg7[%swap3A_1301] {strides = array<i32>} : memref<8192xf32, #tpu.memory_space<vmem>>, vector<16xf32>,
      %swap3A_1303 = vector.shape_cast %swap3A_1302 : vector<16xf32> to vector<16xf32>
      %swap3A_1304 = vector.shape_cast %select_n3A_1294 : vector<16xf32> to vector<16xf32>
      tpu.vector_store %arg7[%swap3A_1301], %swap3A_1304 {strides = array<i32>} : memref<8192xf32, #tpu.memory_space<vmem>>, vector<16xf32>,
      %eq3A_1305 = arith.constant 9 : i32
      %eq3A_1306 = vector.broadcast %eq3A_1305 : i32 to vector<16xi32>
      %eq3A_1307 = arith.cmpi eq, %get3A_1096, %eq3A_1306 : vector<16xi32>
      %eq3A_1308 = arith.constant 9 : i32
      %eq3A_1309 = vector.broadcast %eq3A_1308 : i32 to vector<16xi32>
      %eq3A_1310 = arith.cmpi eq, %add3A_1106, %eq3A_1309 : vector<16xi32>
      %or3A_1311 = arith.ori %eq3A_1307, %eq3A_1310 : vector<16xi1>
      %jit3A_1312 = arith.constant 1.000000e+00 : f32
      %jit3A_1313 = arith.constant 0.000000e+00 : f32
      %broadcast_in_dim3A_1314 = vector.broadcast %jit3A_1312 : f32 to vector<16xf32>
      %broadcast_in_dim3A_1315 = vector.broadcast %jit3A_1313 : f32 to vector<16xf32>
      %select_n3A_1316 = arith.select %or3A_1311, %broadcast_in_dim3A_1314, %broadcast_in_dim3A_1315 : vector<16xi1>, vector<16xf32>
      %mul3A_1317 = arith.constant 64 : i32
      %mul3A_1318 = arith.muli %scan3A_24, %mul3A_1317 : i32
      %add3A_1319 = arith.constant 4608 : i32
      %add3A_1320 = arith.addi %add3A_1319, %mul3A_1318 : i32
      %add3A_1321 = arith.constant 48 : i32
      %add3A_1322 = arith.addi %add3A_1320, %add3A_1321 : i32
      %swap3A_1323 = arith.index_cast %add3A_1322 : i32 to index
      %swap3A_1324 = tpu.vector_load %arg7[%swap3A_1323] {strides = array<i32>} : memref<8192xf32, #tpu.memory_space<vmem>>, vector<16xf32>,
      %swap3A_1325 = vector.shape_cast %swap3A_1324 : vector<16xf32> to vector<16xf32>
      %swap3A_1326 = vector.shape_cast %select_n3A_1316 : vector<16xf32> to vector<16xf32>
      tpu.vector_store %arg7[%swap3A_1323], %swap3A_1326 {strides = array<i32>} : memref<8192xf32, #tpu.memory_space<vmem>>, vector<16xf32>,
      %eq3A_1327 = arith.constant 10 : i32
      %eq3A_1328 = vector.broadcast %eq3A_1327 : i32 to vector<16xi32>
      %eq3A_1329 = arith.cmpi eq, %get3A_1096, %eq3A_1328 : vector<16xi32>
      %eq3A_1330 = arith.constant 10 : i32
      %eq3A_1331 = vector.broadcast %eq3A_1330 : i32 to vector<16xi32>
      %eq3A_1332 = arith.cmpi eq, %add3A_1106, %eq3A_1331 : vector<16xi32>
      %or3A_1333 = arith.ori %eq3A_1329, %eq3A_1332 : vector<16xi1>
      %jit3A_1334 = arith.constant 1.000000e+00 : f32
      %jit3A_1335 = arith.constant 0.000000e+00 : f32
      %broadcast_in_dim3A_1336 = vector.broadcast %jit3A_1334 : f32 to vector<16xf32>
      %broadcast_in_dim3A_1337 = vector.broadcast %jit3A_1335 : f32 to vector<16xf32>
      %select_n3A_1338 = arith.select %or3A_1333, %broadcast_in_dim3A_1336, %broadcast_in_dim3A_1337 : vector<16xi1>, vector<16xf32>
      %mul3A_1339 = arith.constant 64 : i32
      %mul3A_1340 = arith.muli %scan3A_24, %mul3A_1339 : i32
      %add3A_1341 = arith.constant 5120 : i32
      %add3A_1342 = arith.addi %add3A_1341, %mul3A_1340 : i32
      %add3A_1343 = arith.constant 48 : i32
      %add3A_1344 = arith.addi %add3A_1342, %add3A_1343 : i32
      %swap3A_1345 = arith.index_cast %add3A_1344 : i32 to index
      %swap3A_1346 = tpu.vector_load %arg7[%swap3A_1345] {strides = array<i32>} : memref<8192xf32, #tpu.memory_space<vmem>>, vector<16xf32>,
      %swap3A_1347 = vector.shape_cast %swap3A_1346 : vector<16xf32> to vector<16xf32>
      %swap3A_1348 = vector.shape_cast %select_n3A_1338 : vector<16xf32> to vector<16xf32>
      tpu.vector_store %arg7[%swap3A_1345], %swap3A_1348 {strides = array<i32>} : memref<8192xf32, #tpu.memory_space<vmem>>, vector<16xf32>,
      %eq3A_1349 = arith.constant 11 : i32
      %eq3A_1350 = vector.broadcast %eq3A_1349 : i32 to vector<16xi32>
      %eq3A_1351 = arith.cmpi eq, %get3A_1096, %eq3A_1350 : vector<16xi32>
      %eq3A_1352 = arith.constant 11 : i32
      %eq3A_1353 = vector.broadcast %eq3A_1352 : i32 to vector<16xi32>
      %eq3A_1354 = arith.cmpi eq, %add3A_1106, %eq3A_1353 : vector<16xi32>
      %or3A_1355 = arith.ori %eq3A_1351, %eq3A_1354 : vector<16xi1>
      %jit3A_1356 = arith.constant 1.000000e+00 : f32
      %jit3A_1357 = arith.constant 0.000000e+00 : f32
      %broadcast_in_dim3A_1358 = vector.broadcast %jit3A_1356 : f32 to vector<16xf32>
      %broadcast_in_dim3A_1359 = vector.broadcast %jit3A_1357 : f32 to vector<16xf32>
      %select_n3A_1360 = arith.select %or3A_1355, %broadcast_in_dim3A_1358, %broadcast_in_dim3A_1359 : vector<16xi1>, vector<16xf32>
      %mul3A_1361 = arith.constant 64 : i32
      %mul3A_1362 = arith.muli %scan3A_24, %mul3A_1361 : i32
      %add3A_1363 = arith.constant 5632 : i32
      %add3A_1364 = arith.addi %add3A_1363, %mul3A_1362 : i32
      %add3A_1365 = arith.constant 48 : i32
      %add3A_1366 = arith.addi %add3A_1364, %add3A_1365 : i32
      %swap3A_1367 = arith.index_cast %add3A_1366 : i32 to index
      %swap3A_1368 = tpu.vector_load %arg7[%swap3A_1367] {strides = array<i32>} : memref<8192xf32, #tpu.memory_space<vmem>>, vector<16xf32>,
      %swap3A_1369 = vector.shape_cast %swap3A_1368 : vector<16xf32> to vector<16xf32>
      %swap3A_1370 = vector.shape_cast %select_n3A_1360 : vector<16xf32> to vector<16xf32>
      tpu.vector_store %arg7[%swap3A_1367], %swap3A_1370 {strides = array<i32>} : memref<8192xf32, #tpu.memory_space<vmem>>, vector<16xf32>,
      %eq3A_1371 = arith.constant 12 : i32
      %eq3A_1372 = vector.broadcast %eq3A_1371 : i32 to vector<16xi32>
      %eq3A_1373 = arith.cmpi eq, %get3A_1096, %eq3A_1372 : vector<16xi32>
      %eq3A_1374 = arith.constant 12 : i32
      %eq3A_1375 = vector.broadcast %eq3A_1374 : i32 to vector<16xi32>
      %eq3A_1376 = arith.cmpi eq, %add3A_1106, %eq3A_1375 : vector<16xi32>
      %or3A_1377 = arith.ori %eq3A_1373, %eq3A_1376 : vector<16xi1>
      %jit3A_1378 = arith.constant 1.000000e+00 : f32
      %jit3A_1379 = arith.constant 0.000000e+00 : f32
      %broadcast_in_dim3A_1380 = vector.broadcast %jit3A_1378 : f32 to vector<16xf32>
      %broadcast_in_dim3A_1381 = vector.broadcast %jit3A_1379 : f32 to vector<16xf32>
      %select_n3A_1382 = arith.select %or3A_1377, %broadcast_in_dim3A_1380, %broadcast_in_dim3A_1381 : vector<16xi1>, vector<16xf32>
      %mul3A_1383 = arith.constant 64 : i32
      %mul3A_1384 = arith.muli %scan3A_24, %mul3A_1383 : i32
      %add3A_1385 = arith.constant 6144 : i32
      %add3A_1386 = arith.addi %add3A_1385, %mul3A_1384 : i32
      %add3A_1387 = arith.constant 48 : i32
      %add3A_1388 = arith.addi %add3A_1386, %add3A_1387 : i32
      %swap3A_1389 = arith.index_cast %add3A_1388 : i32 to index
      %swap3A_1390 = tpu.vector_load %arg7[%swap3A_1389] {strides = array<i32>} : memref<8192xf32, #tpu.memory_space<vmem>>, vector<16xf32>,
      %swap3A_1391 = vector.shape_cast %swap3A_1390 : vector<16xf32> to vector<16xf32>
      %swap3A_1392 = vector.shape_cast %select_n3A_1382 : vector<16xf32> to vector<16xf32>
      tpu.vector_store %arg7[%swap3A_1389], %swap3A_1392 {strides = array<i32>} : memref<8192xf32, #tpu.memory_space<vmem>>, vector<16xf32>,
      %eq3A_1393 = arith.constant 13 : i32
      %eq3A_1394 = vector.broadcast %eq3A_1393 : i32 to vector<16xi32>
      %eq3A_1395 = arith.cmpi eq, %get3A_1096, %eq3A_1394 : vector<16xi32>
      %eq3A_1396 = arith.constant 13 : i32
      %eq3A_1397 = vector.broadcast %eq3A_1396 : i32 to vector<16xi32>
      %eq3A_1398 = arith.cmpi eq, %add3A_1106, %eq3A_1397 : vector<16xi32>
      %or3A_1399 = arith.ori %eq3A_1395, %eq3A_1398 : vector<16xi1>
      %jit3A_1400 = arith.constant 1.000000e+00 : f32
      %jit3A_1401 = arith.constant 0.000000e+00 : f32
      %broadcast_in_dim3A_1402 = vector.broadcast %jit3A_1400 : f32 to vector<16xf32>
      %broadcast_in_dim3A_1403 = vector.broadcast %jit3A_1401 : f32 to vector<16xf32>
      %select_n3A_1404 = arith.select %or3A_1399, %broadcast_in_dim3A_1402, %broadcast_in_dim3A_1403 : vector<16xi1>, vector<16xf32>
      %mul3A_1405 = arith.constant 64 : i32
      %mul3A_1406 = arith.muli %scan3A_24, %mul3A_1405 : i32
      %add3A_1407 = arith.constant 6656 : i32
      %add3A_1408 = arith.addi %add3A_1407, %mul3A_1406 : i32
      %add3A_1409 = arith.constant 48 : i32
      %add3A_1410 = arith.addi %add3A_1408, %add3A_1409 : i32
      %swap3A_1411 = arith.index_cast %add3A_1410 : i32 to index
      %swap3A_1412 = tpu.vector_load %arg7[%swap3A_1411] {strides = array<i32>} : memref<8192xf32, #tpu.memory_space<vmem>>, vector<16xf32>,
      %swap3A_1413 = vector.shape_cast %swap3A_1412 : vector<16xf32> to vector<16xf32>
      %swap3A_1414 = vector.shape_cast %select_n3A_1404 : vector<16xf32> to vector<16xf32>
      tpu.vector_store %arg7[%swap3A_1411], %swap3A_1414 {strides = array<i32>} : memref<8192xf32, #tpu.memory_space<vmem>>, vector<16xf32>,
      %eq3A_1415 = arith.constant 14 : i32
      %eq3A_1416 = vector.broadcast %eq3A_1415 : i32 to vector<16xi32>
      %eq3A_1417 = arith.cmpi eq, %get3A_1096, %eq3A_1416 : vector<16xi32>
      %eq3A_1418 = arith.constant 14 : i32
      %eq3A_1419 = vector.broadcast %eq3A_1418 : i32 to vector<16xi32>
      %eq3A_1420 = arith.cmpi eq, %add3A_1106, %eq3A_1419 : vector<16xi32>
      %or3A_1421 = arith.ori %eq3A_1417, %eq3A_1420 : vector<16xi1>
      %jit3A_1422 = arith.constant 1.000000e+00 : f32
      %jit3A_1423 = arith.constant 0.000000e+00 : f32
      %broadcast_in_dim3A_1424 = vector.broadcast %jit3A_1422 : f32 to vector<16xf32>
      %broadcast_in_dim3A_1425 = vector.broadcast %jit3A_1423 : f32 to vector<16xf32>
      %select_n3A_1426 = arith.select %or3A_1421, %broadcast_in_dim3A_1424, %broadcast_in_dim3A_1425 : vector<16xi1>, vector<16xf32>
      %mul3A_1427 = arith.constant 64 : i32
      %mul3A_1428 = arith.muli %scan3A_24, %mul3A_1427 : i32
      %add3A_1429 = arith.constant 7168 : i32
      %add3A_1430 = arith.addi %add3A_1429, %mul3A_1428 : i32
      %add3A_1431 = arith.constant 48 : i32
      %add3A_1432 = arith.addi %add3A_1430, %add3A_1431 : i32
      %swap3A_1433 = arith.index_cast %add3A_1432 : i32 to index
      %swap3A_1434 = tpu.vector_load %arg7[%swap3A_1433] {strides = array<i32>} : memref<8192xf32, #tpu.memory_space<vmem>>, vector<16xf32>,
      %swap3A_1435 = vector.shape_cast %swap3A_1434 : vector<16xf32> to vector<16xf32>
      %swap3A_1436 = vector.shape_cast %select_n3A_1426 : vector<16xf32> to vector<16xf32>
      tpu.vector_store %arg7[%swap3A_1433], %swap3A_1436 {strides = array<i32>} : memref<8192xf32, #tpu.memory_space<vmem>>, vector<16xf32>,
      %mul3A_1437 = arith.constant 64 : i32
      %mul3A_1438 = arith.muli %scan3A_24, %mul3A_1437 : i32
      %add3A_1439 = arith.constant 7680 : i32
      %add3A_1440 = arith.addi %add3A_1439, %mul3A_1438 : i32
      %add3A_1441 = arith.constant 48 : i32
      %add3A_1442 = arith.addi %add3A_1440, %add3A_1441 : i32
      %swap3A_1443 = arith.index_cast %add3A_1442 : i32 to index
      %swap3A_1444 = tpu.vector_load %arg7[%swap3A_1443] {strides = array<i32>} : memref<8192xf32, #tpu.memory_space<vmem>>, vector<16xf32>,
      %swap3A_1445 = vector.shape_cast %swap3A_1444 : vector<16xf32> to vector<16xf32>
      %swap3A_1446 = vector.shape_cast %broadcast_in_dim3A_3 : vector<16xf32> to vector<16xf32>
      tpu.vector_store %arg7[%swap3A_1443], %swap3A_1446 {strides = array<i32>} : memref<8192xf32, #tpu.memory_space<vmem>>, vector<16xf32>,
    }
    %scan3A_8 = arith.constant 8 : i32
    %run_scoped3A = arith.constant 0 : i32
    "tpu.region"() ({
      %run_scoped3A_24 = tpu.sem_alloc : memref<!tpu.dma_semaphore, #tpu.memory_space<semaphore_mem>>
      %dma_start3A = arith.constant 0 : i32
      %dma_start3A_25 = tpu.memref_slice %arg7[%dma_start3A] : memref<8192xf32, #tpu.memory_space<vmem>> -> memref<512xf32, #tpu.memory_space<vmem>>
      %dma_start3A_26 = tpu.memref_slice %arg4[%run_scoped3A, %mul3A_2] : memref<16x16384xf32, #tpu.memory_space<hbm>> -> memref<1x512xf32, #tpu.memory_space<hbm>>
      %dma_start3A_27 = tpu.memref_squeeze %dma_start3A_26 : memref<1x512xf32, #tpu.memory_space<hbm>> -> memref<512xf32, #tpu.memory_space<hbm>>
      %dma_start3A_28 = tpu.memref_slice %arg4[%run_scoped3A, %mul3A_2] : memref<16x16384xf32, #tpu.memory_space<hbm>> -> memref<1x512xf32, #tpu.memory_space<hbm>>
      %dma_start3A_29 = tpu.memref_squeeze %dma_start3A_28 : memref<1x512xf32, #tpu.memory_space<hbm>> -> memref<512xf32, #tpu.memory_space<hbm>>
      %dma_start3A_30 = arith.constant 0 : i32
      %dma_start3A_31 = tpu.memref_slice %arg7[%dma_start3A_30] : memref<8192xf32, #tpu.memory_space<vmem>> -> memref<512xf32, #tpu.memory_space<vmem>>
      tpu.enqueue_dma source(%dma_start3A_31 : memref<512xf32, #tpu.memory_space<vmem>>) target(%dma_start3A_29 : memref<512xf32, #tpu.memory_space<hbm>>) target_semaphore(%run_scoped3A_24 : memref<!tpu.dma_semaphore, #tpu.memory_space<semaphore_mem>>)
      %dma_wait3A = arith.constant 0 : i32
      %dma_wait3A_32 = tpu.memref_slice %arg7[%dma_wait3A] : memref<8192xf32, #tpu.memory_space<vmem>> -> memref<512xf32, #tpu.memory_space<vmem>>
      %dma_wait3A_33 = tpu.memref_slice %arg4[%run_scoped3A, %mul3A_2] : memref<16x16384xf32, #tpu.memory_space<hbm>> -> memref<1x512xf32, #tpu.memory_space<hbm>>
      %dma_wait3A_34 = tpu.memref_squeeze %dma_wait3A_33 : memref<1x512xf32, #tpu.memory_space<hbm>> -> memref<512xf32, #tpu.memory_space<hbm>>
      %dma_wait3A_35 = tpu.memref_slice %arg4[%run_scoped3A, %mul3A_2] : memref<16x16384xf32, #tpu.memory_space<hbm>> -> memref<1x512xf32, #tpu.memory_space<hbm>>
      %dma_wait3A_36 = tpu.memref_squeeze %dma_wait3A_35 : memref<1x512xf32, #tpu.memory_space<hbm>> -> memref<512xf32, #tpu.memory_space<hbm>>
      %dma_wait3A_37 = arith.constant 0 : i32
      %dma_wait3A_38 = tpu.memref_slice %arg7[%dma_wait3A_37] : memref<8192xf32, #tpu.memory_space<vmem>> -> memref<512xf32, #tpu.memory_space<vmem>>
      tpu.wait_dma2 semaphore(%run_scoped3A_24 : memref<!tpu.dma_semaphore, #tpu.memory_space<semaphore_mem>>) src(%dma_wait3A_38 : memref<512xf32, #tpu.memory_space<vmem>>) dst(%dma_wait3A_36 : memref<512xf32, #tpu.memory_space<hbm>>)
      tpu.yield
    }) : () -> ()
    %run_scoped3A_9 = arith.constant 1 : i32
    "tpu.region"() ({
      %run_scoped3A_24 = tpu.sem_alloc : memref<!tpu.dma_semaphore, #tpu.memory_space<semaphore_mem>>
      %dma_start3A = arith.constant 512 : i32
      %dma_start3A_25 = tpu.memref_slice %arg7[%dma_start3A] : memref<8192xf32, #tpu.memory_space<vmem>> -> memref<512xf32, #tpu.memory_space<vmem>>
      %dma_start3A_26 = tpu.memref_slice %arg4[%run_scoped3A_9, %mul3A_2] : memref<16x16384xf32, #tpu.memory_space<hbm>> -> memref<1x512xf32, #tpu.memory_space<hbm>>
      %dma_start3A_27 = tpu.memref_squeeze %dma_start3A_26 : memref<1x512xf32, #tpu.memory_space<hbm>> -> memref<512xf32, #tpu.memory_space<hbm>>
      %dma_start3A_28 = tpu.memref_slice %arg4[%run_scoped3A_9, %mul3A_2] : memref<16x16384xf32, #tpu.memory_space<hbm>> -> memref<1x512xf32, #tpu.memory_space<hbm>>
      %dma_start3A_29 = tpu.memref_squeeze %dma_start3A_28 : memref<1x512xf32, #tpu.memory_space<hbm>> -> memref<512xf32, #tpu.memory_space<hbm>>
      %dma_start3A_30 = arith.constant 512 : i32
      %dma_start3A_31 = tpu.memref_slice %arg7[%dma_start3A_30] : memref<8192xf32, #tpu.memory_space<vmem>> -> memref<512xf32, #tpu.memory_space<vmem>>
      tpu.enqueue_dma source(%dma_start3A_31 : memref<512xf32, #tpu.memory_space<vmem>>) target(%dma_start3A_29 : memref<512xf32, #tpu.memory_space<hbm>>) target_semaphore(%run_scoped3A_24 : memref<!tpu.dma_semaphore, #tpu.memory_space<semaphore_mem>>)
      %dma_wait3A = arith.constant 512 : i32
      %dma_wait3A_32 = tpu.memref_slice %arg7[%dma_wait3A] : memref<8192xf32, #tpu.memory_space<vmem>> -> memref<512xf32, #tpu.memory_space<vmem>>
      %dma_wait3A_33 = tpu.memref_slice %arg4[%run_scoped3A_9, %mul3A_2] : memref<16x16384xf32, #tpu.memory_space<hbm>> -> memref<1x512xf32, #tpu.memory_space<hbm>>
      %dma_wait3A_34 = tpu.memref_squeeze %dma_wait3A_33 : memref<1x512xf32, #tpu.memory_space<hbm>> -> memref<512xf32, #tpu.memory_space<hbm>>
      %dma_wait3A_35 = tpu.memref_slice %arg4[%run_scoped3A_9, %mul3A_2] : memref<16x16384xf32, #tpu.memory_space<hbm>> -> memref<1x512xf32, #tpu.memory_space<hbm>>
      %dma_wait3A_36 = tpu.memref_squeeze %dma_wait3A_35 : memref<1x512xf32, #tpu.memory_space<hbm>> -> memref<512xf32, #tpu.memory_space<hbm>>
      %dma_wait3A_37 = arith.constant 512 : i32
      %dma_wait3A_38 = tpu.memref_slice %arg7[%dma_wait3A_37] : memref<8192xf32, #tpu.memory_space<vmem>> -> memref<512xf32, #tpu.memory_space<vmem>>
      tpu.wait_dma2 semaphore(%run_scoped3A_24 : memref<!tpu.dma_semaphore, #tpu.memory_space<semaphore_mem>>) src(%dma_wait3A_38 : memref<512xf32, #tpu.memory_space<vmem>>) dst(%dma_wait3A_36 : memref<512xf32, #tpu.memory_space<hbm>>)
      tpu.yield
    }) : () -> ()
    %run_scoped3A_10 = arith.constant 2 : i32
    "tpu.region"() ({
      %run_scoped3A_24 = tpu.sem_alloc : memref<!tpu.dma_semaphore, #tpu.memory_space<semaphore_mem>>
      %dma_start3A = arith.constant 1024 : i32
      %dma_start3A_25 = tpu.memref_slice %arg7[%dma_start3A] : memref<8192xf32, #tpu.memory_space<vmem>> -> memref<512xf32, #tpu.memory_space<vmem>>
      %dma_start3A_26 = tpu.memref_slice %arg4[%run_scoped3A_10, %mul3A_2] : memref<16x16384xf32, #tpu.memory_space<hbm>> -> memref<1x512xf32, #tpu.memory_space<hbm>>
      %dma_start3A_27 = tpu.memref_squeeze %dma_start3A_26 : memref<1x512xf32, #tpu.memory_space<hbm>> -> memref<512xf32, #tpu.memory_space<hbm>>
      %dma_start3A_28 = tpu.memref_slice %arg4[%run_scoped3A_10, %mul3A_2] : memref<16x16384xf32, #tpu.memory_space<hbm>> -> memref<1x512xf32, #tpu.memory_space<hbm>>
      %dma_start3A_29 = tpu.memref_squeeze %dma_start3A_28 : memref<1x512xf32, #tpu.memory_space<hbm>> -> memref<512xf32, #tpu.memory_space<hbm>>
      %dma_start3A_30 = arith.constant 1024 : i32
      %dma_start3A_31 = tpu.memref_slice %arg7[%dma_start3A_30] : memref<8192xf32, #tpu.memory_space<vmem>> -> memref<512xf32, #tpu.memory_space<vmem>>
      tpu.enqueue_dma source(%dma_start3A_31 : memref<512xf32, #tpu.memory_space<vmem>>) target(%dma_start3A_29 : memref<512xf32, #tpu.memory_space<hbm>>) target_semaphore(%run_scoped3A_24 : memref<!tpu.dma_semaphore, #tpu.memory_space<semaphore_mem>>)
      %dma_wait3A = arith.constant 1024 : i32
      %dma_wait3A_32 = tpu.memref_slice %arg7[%dma_wait3A] : memref<8192xf32, #tpu.memory_space<vmem>> -> memref<512xf32, #tpu.memory_space<vmem>>
      %dma_wait3A_33 = tpu.memref_slice %arg4[%run_scoped3A_10, %mul3A_2] : memref<16x16384xf32, #tpu.memory_space<hbm>> -> memref<1x512xf32, #tpu.memory_space<hbm>>
      %dma_wait3A_34 = tpu.memref_squeeze %dma_wait3A_33 : memref<1x512xf32, #tpu.memory_space<hbm>> -> memref<512xf32, #tpu.memory_space<hbm>>
      %dma_wait3A_35 = tpu.memref_slice %arg4[%run_scoped3A_10, %mul3A_2] : memref<16x16384xf32, #tpu.memory_space<hbm>> -> memref<1x512xf32, #tpu.memory_space<hbm>>
      %dma_wait3A_36 = tpu.memref_squeeze %dma_wait3A_35 : memref<1x512xf32, #tpu.memory_space<hbm>> -> memref<512xf32, #tpu.memory_space<hbm>>
      %dma_wait3A_37 = arith.constant 1024 : i32
      %dma_wait3A_38 = tpu.memref_slice %arg7[%dma_wait3A_37] : memref<8192xf32, #tpu.memory_space<vmem>> -> memref<512xf32, #tpu.memory_space<vmem>>
      tpu.wait_dma2 semaphore(%run_scoped3A_24 : memref<!tpu.dma_semaphore, #tpu.memory_space<semaphore_mem>>) src(%dma_wait3A_38 : memref<512xf32, #tpu.memory_space<vmem>>) dst(%dma_wait3A_36 : memref<512xf32, #tpu.memory_space<hbm>>)
      tpu.yield
    }) : () -> ()
    %run_scoped3A_11 = arith.constant 3 : i32
    "tpu.region"() ({
      %run_scoped3A_24 = tpu.sem_alloc : memref<!tpu.dma_semaphore, #tpu.memory_space<semaphore_mem>>
      %dma_start3A = arith.constant 1536 : i32
      %dma_start3A_25 = tpu.memref_slice %arg7[%dma_start3A] : memref<8192xf32, #tpu.memory_space<vmem>> -> memref<512xf32, #tpu.memory_space<vmem>>
      %dma_start3A_26 = tpu.memref_slice %arg4[%run_scoped3A_11, %mul3A_2] : memref<16x16384xf32, #tpu.memory_space<hbm>> -> memref<1x512xf32, #tpu.memory_space<hbm>>
      %dma_start3A_27 = tpu.memref_squeeze %dma_start3A_26 : memref<1x512xf32, #tpu.memory_space<hbm>> -> memref<512xf32, #tpu.memory_space<hbm>>
      %dma_start3A_28 = tpu.memref_slice %arg4[%run_scoped3A_11, %mul3A_2] : memref<16x16384xf32, #tpu.memory_space<hbm>> -> memref<1x512xf32, #tpu.memory_space<hbm>>
      %dma_start3A_29 = tpu.memref_squeeze %dma_start3A_28 : memref<1x512xf32, #tpu.memory_space<hbm>> -> memref<512xf32, #tpu.memory_space<hbm>>
      %dma_start3A_30 = arith.constant 1536 : i32
      %dma_start3A_31 = tpu.memref_slice %arg7[%dma_start3A_30] : memref<8192xf32, #tpu.memory_space<vmem>> -> memref<512xf32, #tpu.memory_space<vmem>>
      tpu.enqueue_dma source(%dma_start3A_31 : memref<512xf32, #tpu.memory_space<vmem>>) target(%dma_start3A_29 : memref<512xf32, #tpu.memory_space<hbm>>) target_semaphore(%run_scoped3A_24 : memref<!tpu.dma_semaphore, #tpu.memory_space<semaphore_mem>>)
      %dma_wait3A = arith.constant 1536 : i32
      %dma_wait3A_32 = tpu.memref_slice %arg7[%dma_wait3A] : memref<8192xf32, #tpu.memory_space<vmem>> -> memref<512xf32, #tpu.memory_space<vmem>>
      %dma_wait3A_33 = tpu.memref_slice %arg4[%run_scoped3A_11, %mul3A_2] : memref<16x16384xf32, #tpu.memory_space<hbm>> -> memref<1x512xf32, #tpu.memory_space<hbm>>
      %dma_wait3A_34 = tpu.memref_squeeze %dma_wait3A_33 : memref<1x512xf32, #tpu.memory_space<hbm>> -> memref<512xf32, #tpu.memory_space<hbm>>
      %dma_wait3A_35 = tpu.memref_slice %arg4[%run_scoped3A_11, %mul3A_2] : memref<16x16384xf32, #tpu.memory_space<hbm>> -> memref<1x512xf32, #tpu.memory_space<hbm>>
      %dma_wait3A_36 = tpu.memref_squeeze %dma_wait3A_35 : memref<1x512xf32, #tpu.memory_space<hbm>> -> memref<512xf32, #tpu.memory_space<hbm>>
      %dma_wait3A_37 = arith.constant 1536 : i32
      %dma_wait3A_38 = tpu.memref_slice %arg7[%dma_wait3A_37] : memref<8192xf32, #tpu.memory_space<vmem>> -> memref<512xf32, #tpu.memory_space<vmem>>
      tpu.wait_dma2 semaphore(%run_scoped3A_24 : memref<!tpu.dma_semaphore, #tpu.memory_space<semaphore_mem>>) src(%dma_wait3A_38 : memref<512xf32, #tpu.memory_space<vmem>>) dst(%dma_wait3A_36 : memref<512xf32, #tpu.memory_space<hbm>>)
      tpu.yield
    }) : () -> ()
    %run_scoped3A_12 = arith.constant 4 : i32
    "tpu.region"() ({
      %run_scoped3A_24 = tpu.sem_alloc : memref<!tpu.dma_semaphore, #tpu.memory_space<semaphore_mem>>
      %dma_start3A = arith.constant 2048 : i32
      %dma_start3A_25 = tpu.memref_slice %arg7[%dma_start3A] : memref<8192xf32, #tpu.memory_space<vmem>> -> memref<512xf32, #tpu.memory_space<vmem>>
      %dma_start3A_26 = tpu.memref_slice %arg4[%run_scoped3A_12, %mul3A_2] : memref<16x16384xf32, #tpu.memory_space<hbm>> -> memref<1x512xf32, #tpu.memory_space<hbm>>
      %dma_start3A_27 = tpu.memref_squeeze %dma_start3A_26 : memref<1x512xf32, #tpu.memory_space<hbm>> -> memref<512xf32, #tpu.memory_space<hbm>>
      %dma_start3A_28 = tpu.memref_slice %arg4[%run_scoped3A_12, %mul3A_2] : memref<16x16384xf32, #tpu.memory_space<hbm>> -> memref<1x512xf32, #tpu.memory_space<hbm>>
      %dma_start3A_29 = tpu.memref_squeeze %dma_start3A_28 : memref<1x512xf32, #tpu.memory_space<hbm>> -> memref<512xf32, #tpu.memory_space<hbm>>
      %dma_start3A_30 = arith.constant 2048 : i32
      %dma_start3A_31 = tpu.memref_slice %arg7[%dma_start3A_30] : memref<8192xf32, #tpu.memory_space<vmem>> -> memref<512xf32, #tpu.memory_space<vmem>>
      tpu.enqueue_dma source(%dma_start3A_31 : memref<512xf32, #tpu.memory_space<vmem>>) target(%dma_start3A_29 : memref<512xf32, #tpu.memory_space<hbm>>) target_semaphore(%run_scoped3A_24 : memref<!tpu.dma_semaphore, #tpu.memory_space<semaphore_mem>>)
      %dma_wait3A = arith.constant 2048 : i32
      %dma_wait3A_32 = tpu.memref_slice %arg7[%dma_wait3A] : memref<8192xf32, #tpu.memory_space<vmem>> -> memref<512xf32, #tpu.memory_space<vmem>>
      %dma_wait3A_33 = tpu.memref_slice %arg4[%run_scoped3A_12, %mul3A_2] : memref<16x16384xf32, #tpu.memory_space<hbm>> -> memref<1x512xf32, #tpu.memory_space<hbm>>
      %dma_wait3A_34 = tpu.memref_squeeze %dma_wait3A_33 : memref<1x512xf32, #tpu.memory_space<hbm>> -> memref<512xf32, #tpu.memory_space<hbm>>
      %dma_wait3A_35 = tpu.memref_slice %arg4[%run_scoped3A_12, %mul3A_2] : memref<16x16384xf32, #tpu.memory_space<hbm>> -> memref<1x512xf32, #tpu.memory_space<hbm>>
      %dma_wait3A_36 = tpu.memref_squeeze %dma_wait3A_35 : memref<1x512xf32, #tpu.memory_space<hbm>> -> memref<512xf32, #tpu.memory_space<hbm>>
      %dma_wait3A_37 = arith.constant 2048 : i32
      %dma_wait3A_38 = tpu.memref_slice %arg7[%dma_wait3A_37] : memref<8192xf32, #tpu.memory_space<vmem>> -> memref<512xf32, #tpu.memory_space<vmem>>
      tpu.wait_dma2 semaphore(%run_scoped3A_24 : memref<!tpu.dma_semaphore, #tpu.memory_space<semaphore_mem>>) src(%dma_wait3A_38 : memref<512xf32, #tpu.memory_space<vmem>>) dst(%dma_wait3A_36 : memref<512xf32, #tpu.memory_space<hbm>>)
      tpu.yield
    }) : () -> ()
    %run_scoped3A_13 = arith.constant 5 : i32
    "tpu.region"() ({
      %run_scoped3A_24 = tpu.sem_alloc : memref<!tpu.dma_semaphore, #tpu.memory_space<semaphore_mem>>
      %dma_start3A = arith.constant 2560 : i32
      %dma_start3A_25 = tpu.memref_slice %arg7[%dma_start3A] : memref<8192xf32, #tpu.memory_space<vmem>> -> memref<512xf32, #tpu.memory_space<vmem>>
      %dma_start3A_26 = tpu.memref_slice %arg4[%run_scoped3A_13, %mul3A_2] : memref<16x16384xf32, #tpu.memory_space<hbm>> -> memref<1x512xf32, #tpu.memory_space<hbm>>
      %dma_start3A_27 = tpu.memref_squeeze %dma_start3A_26 : memref<1x512xf32, #tpu.memory_space<hbm>> -> memref<512xf32, #tpu.memory_space<hbm>>
      %dma_start3A_28 = tpu.memref_slice %arg4[%run_scoped3A_13, %mul3A_2] : memref<16x16384xf32, #tpu.memory_space<hbm>> -> memref<1x512xf32, #tpu.memory_space<hbm>>
      %dma_start3A_29 = tpu.memref_squeeze %dma_start3A_28 : memref<1x512xf32, #tpu.memory_space<hbm>> -> memref<512xf32, #tpu.memory_space<hbm>>
      %dma_start3A_30 = arith.constant 2560 : i32
      %dma_start3A_31 = tpu.memref_slice %arg7[%dma_start3A_30] : memref<8192xf32, #tpu.memory_space<vmem>> -> memref<512xf32, #tpu.memory_space<vmem>>
      tpu.enqueue_dma source(%dma_start3A_31 : memref<512xf32, #tpu.memory_space<vmem>>) target(%dma_start3A_29 : memref<512xf32, #tpu.memory_space<hbm>>) target_semaphore(%run_scoped3A_24 : memref<!tpu.dma_semaphore, #tpu.memory_space<semaphore_mem>>)
      %dma_wait3A = arith.constant 2560 : i32
      %dma_wait3A_32 = tpu.memref_slice %arg7[%dma_wait3A] : memref<8192xf32, #tpu.memory_space<vmem>> -> memref<512xf32, #tpu.memory_space<vmem>>
      %dma_wait3A_33 = tpu.memref_slice %arg4[%run_scoped3A_13, %mul3A_2] : memref<16x16384xf32, #tpu.memory_space<hbm>> -> memref<1x512xf32, #tpu.memory_space<hbm>>
      %dma_wait3A_34 = tpu.memref_squeeze %dma_wait3A_33 : memref<1x512xf32, #tpu.memory_space<hbm>> -> memref<512xf32, #tpu.memory_space<hbm>>
      %dma_wait3A_35 = tpu.memref_slice %arg4[%run_scoped3A_13, %mul3A_2] : memref<16x16384xf32, #tpu.memory_space<hbm>> -> memref<1x512xf32, #tpu.memory_space<hbm>>
      %dma_wait3A_36 = tpu.memref_squeeze %dma_wait3A_35 : memref<1x512xf32, #tpu.memory_space<hbm>> -> memref<512xf32, #tpu.memory_space<hbm>>
      %dma_wait3A_37 = arith.constant 2560 : i32
      %dma_wait3A_38 = tpu.memref_slice %arg7[%dma_wait3A_37] : memref<8192xf32, #tpu.memory_space<vmem>> -> memref<512xf32, #tpu.memory_space<vmem>>
      tpu.wait_dma2 semaphore(%run_scoped3A_24 : memref<!tpu.dma_semaphore, #tpu.memory_space<semaphore_mem>>) src(%dma_wait3A_38 : memref<512xf32, #tpu.memory_space<vmem>>) dst(%dma_wait3A_36 : memref<512xf32, #tpu.memory_space<hbm>>)
      tpu.yield
    }) : () -> ()
    %run_scoped3A_14 = arith.constant 6 : i32
    "tpu.region"() ({
      %run_scoped3A_24 = tpu.sem_alloc : memref<!tpu.dma_semaphore, #tpu.memory_space<semaphore_mem>>
      %dma_start3A = arith.constant 3072 : i32
      %dma_start3A_25 = tpu.memref_slice %arg7[%dma_start3A] : memref<8192xf32, #tpu.memory_space<vmem>> -> memref<512xf32, #tpu.memory_space<vmem>>
      %dma_start3A_26 = tpu.memref_slice %arg4[%run_scoped3A_14, %mul3A_2] : memref<16x16384xf32, #tpu.memory_space<hbm>> -> memref<1x512xf32, #tpu.memory_space<hbm>>
      %dma_start3A_27 = tpu.memref_squeeze %dma_start3A_26 : memref<1x512xf32, #tpu.memory_space<hbm>> -> memref<512xf32, #tpu.memory_space<hbm>>
      %dma_start3A_28 = tpu.memref_slice %arg4[%run_scoped3A_14, %mul3A_2] : memref<16x16384xf32, #tpu.memory_space<hbm>> -> memref<1x512xf32, #tpu.memory_space<hbm>>
      %dma_start3A_29 = tpu.memref_squeeze %dma_start3A_28 : memref<1x512xf32, #tpu.memory_space<hbm>> -> memref<512xf32, #tpu.memory_space<hbm>>
      %dma_start3A_30 = arith.constant 3072 : i32
      %dma_start3A_31 = tpu.memref_slice %arg7[%dma_start3A_30] : memref<8192xf32, #tpu.memory_space<vmem>> -> memref<512xf32, #tpu.memory_space<vmem>>
      tpu.enqueue_dma source(%dma_start3A_31 : memref<512xf32, #tpu.memory_space<vmem>>) target(%dma_start3A_29 : memref<512xf32, #tpu.memory_space<hbm>>) target_semaphore(%run_scoped3A_24 : memref<!tpu.dma_semaphore, #tpu.memory_space<semaphore_mem>>)
      %dma_wait3A = arith.constant 3072 : i32
      %dma_wait3A_32 = tpu.memref_slice %arg7[%dma_wait3A] : memref<8192xf32, #tpu.memory_space<vmem>> -> memref<512xf32, #tpu.memory_space<vmem>>
      %dma_wait3A_33 = tpu.memref_slice %arg4[%run_scoped3A_14, %mul3A_2] : memref<16x16384xf32, #tpu.memory_space<hbm>> -> memref<1x512xf32, #tpu.memory_space<hbm>>
      %dma_wait3A_34 = tpu.memref_squeeze %dma_wait3A_33 : memref<1x512xf32, #tpu.memory_space<hbm>> -> memref<512xf32, #tpu.memory_space<hbm>>
      %dma_wait3A_35 = tpu.memref_slice %arg4[%run_scoped3A_14, %mul3A_2] : memref<16x16384xf32, #tpu.memory_space<hbm>> -> memref<1x512xf32, #tpu.memory_space<hbm>>
      %dma_wait3A_36 = tpu.memref_squeeze %dma_wait3A_35 : memref<1x512xf32, #tpu.memory_space<hbm>> -> memref<512xf32, #tpu.memory_space<hbm>>
      %dma_wait3A_37 = arith.constant 3072 : i32
      %dma_wait3A_38 = tpu.memref_slice %arg7[%dma_wait3A_37] : memref<8192xf32, #tpu.memory_space<vmem>> -> memref<512xf32, #tpu.memory_space<vmem>>
      tpu.wait_dma2 semaphore(%run_scoped3A_24 : memref<!tpu.dma_semaphore, #tpu.memory_space<semaphore_mem>>) src(%dma_wait3A_38 : memref<512xf32, #tpu.memory_space<vmem>>) dst(%dma_wait3A_36 : memref<512xf32, #tpu.memory_space<hbm>>)
      tpu.yield
    }) : () -> ()
    %run_scoped3A_15 = arith.constant 7 : i32
    "tpu.region"() ({
      %run_scoped3A_24 = tpu.sem_alloc : memref<!tpu.dma_semaphore, #tpu.memory_space<semaphore_mem>>
      %dma_start3A = arith.constant 3584 : i32
      %dma_start3A_25 = tpu.memref_slice %arg7[%dma_start3A] : memref<8192xf32, #tpu.memory_space<vmem>> -> memref<512xf32, #tpu.memory_space<vmem>>
      %dma_start3A_26 = tpu.memref_slice %arg4[%run_scoped3A_15, %mul3A_2] : memref<16x16384xf32, #tpu.memory_space<hbm>> -> memref<1x512xf32, #tpu.memory_space<hbm>>
      %dma_start3A_27 = tpu.memref_squeeze %dma_start3A_26 : memref<1x512xf32, #tpu.memory_space<hbm>> -> memref<512xf32, #tpu.memory_space<hbm>>
      %dma_start3A_28 = tpu.memref_slice %arg4[%run_scoped3A_15, %mul3A_2] : memref<16x16384xf32, #tpu.memory_space<hbm>> -> memref<1x512xf32, #tpu.memory_space<hbm>>
      %dma_start3A_29 = tpu.memref_squeeze %dma_start3A_28 : memref<1x512xf32, #tpu.memory_space<hbm>> -> memref<512xf32, #tpu.memory_space<hbm>>
      %dma_start3A_30 = arith.constant 3584 : i32
      %dma_start3A_31 = tpu.memref_slice %arg7[%dma_start3A_30] : memref<8192xf32, #tpu.memory_space<vmem>> -> memref<512xf32, #tpu.memory_space<vmem>>
      tpu.enqueue_dma source(%dma_start3A_31 : memref<512xf32, #tpu.memory_space<vmem>>) target(%dma_start3A_29 : memref<512xf32, #tpu.memory_space<hbm>>) target_semaphore(%run_scoped3A_24 : memref<!tpu.dma_semaphore, #tpu.memory_space<semaphore_mem>>)
      %dma_wait3A = arith.constant 3584 : i32
      %dma_wait3A_32 = tpu.memref_slice %arg7[%dma_wait3A] : memref<8192xf32, #tpu.memory_space<vmem>> -> memref<512xf32, #tpu.memory_space<vmem>>
      %dma_wait3A_33 = tpu.memref_slice %arg4[%run_scoped3A_15, %mul3A_2] : memref<16x16384xf32, #tpu.memory_space<hbm>> -> memref<1x512xf32, #tpu.memory_space<hbm>>
      %dma_wait3A_34 = tpu.memref_squeeze %dma_wait3A_33 : memref<1x512xf32, #tpu.memory_space<hbm>> -> memref<512xf32, #tpu.memory_space<hbm>>
      %dma_wait3A_35 = tpu.memref_slice %arg4[%run_scoped3A_15, %mul3A_2] : memref<16x16384xf32, #tpu.memory_space<hbm>> -> memref<1x512xf32, #tpu.memory_space<hbm>>
      %dma_wait3A_36 = tpu.memref_squeeze %dma_wait3A_35 : memref<1x512xf32, #tpu.memory_space<hbm>> -> memref<512xf32, #tpu.memory_space<hbm>>
      %dma_wait3A_37 = arith.constant 3584 : i32
      %dma_wait3A_38 = tpu.memref_slice %arg7[%dma_wait3A_37] : memref<8192xf32, #tpu.memory_space<vmem>> -> memref<512xf32, #tpu.memory_space<vmem>>
      tpu.wait_dma2 semaphore(%run_scoped3A_24 : memref<!tpu.dma_semaphore, #tpu.memory_space<semaphore_mem>>) src(%dma_wait3A_38 : memref<512xf32, #tpu.memory_space<vmem>>) dst(%dma_wait3A_36 : memref<512xf32, #tpu.memory_space<hbm>>)
      tpu.yield
    }) : () -> ()
    %run_scoped3A_16 = arith.constant 8 : i32
    "tpu.region"() ({
      %run_scoped3A_24 = tpu.sem_alloc : memref<!tpu.dma_semaphore, #tpu.memory_space<semaphore_mem>>
      %dma_start3A = arith.constant 4096 : i32
      %dma_start3A_25 = tpu.memref_slice %arg7[%dma_start3A] : memref<8192xf32, #tpu.memory_space<vmem>> -> memref<512xf32, #tpu.memory_space<vmem>>
      %dma_start3A_26 = tpu.memref_slice %arg4[%run_scoped3A_16, %mul3A_2] : memref<16x16384xf32, #tpu.memory_space<hbm>> -> memref<1x512xf32, #tpu.memory_space<hbm>>
      %dma_start3A_27 = tpu.memref_squeeze %dma_start3A_26 : memref<1x512xf32, #tpu.memory_space<hbm>> -> memref<512xf32, #tpu.memory_space<hbm>>
      %dma_start3A_28 = tpu.memref_slice %arg4[%run_scoped3A_16, %mul3A_2] : memref<16x16384xf32, #tpu.memory_space<hbm>> -> memref<1x512xf32, #tpu.memory_space<hbm>>
      %dma_start3A_29 = tpu.memref_squeeze %dma_start3A_28 : memref<1x512xf32, #tpu.memory_space<hbm>> -> memref<512xf32, #tpu.memory_space<hbm>>
      %dma_start3A_30 = arith.constant 4096 : i32
      %dma_start3A_31 = tpu.memref_slice %arg7[%dma_start3A_30] : memref<8192xf32, #tpu.memory_space<vmem>> -> memref<512xf32, #tpu.memory_space<vmem>>
      tpu.enqueue_dma source(%dma_start3A_31 : memref<512xf32, #tpu.memory_space<vmem>>) target(%dma_start3A_29 : memref<512xf32, #tpu.memory_space<hbm>>) target_semaphore(%run_scoped3A_24 : memref<!tpu.dma_semaphore, #tpu.memory_space<semaphore_mem>>)
      %dma_wait3A = arith.constant 4096 : i32
      %dma_wait3A_32 = tpu.memref_slice %arg7[%dma_wait3A] : memref<8192xf32, #tpu.memory_space<vmem>> -> memref<512xf32, #tpu.memory_space<vmem>>
      %dma_wait3A_33 = tpu.memref_slice %arg4[%run_scoped3A_16, %mul3A_2] : memref<16x16384xf32, #tpu.memory_space<hbm>> -> memref<1x512xf32, #tpu.memory_space<hbm>>
      %dma_wait3A_34 = tpu.memref_squeeze %dma_wait3A_33 : memref<1x512xf32, #tpu.memory_space<hbm>> -> memref<512xf32, #tpu.memory_space<hbm>>
      %dma_wait3A_35 = tpu.memref_slice %arg4[%run_scoped3A_16, %mul3A_2] : memref<16x16384xf32, #tpu.memory_space<hbm>> -> memref<1x512xf32, #tpu.memory_space<hbm>>
      %dma_wait3A_36 = tpu.memref_squeeze %dma_wait3A_35 : memref<1x512xf32, #tpu.memory_space<hbm>> -> memref<512xf32, #tpu.memory_space<hbm>>
      %dma_wait3A_37 = arith.constant 4096 : i32
      %dma_wait3A_38 = tpu.memref_slice %arg7[%dma_wait3A_37] : memref<8192xf32, #tpu.memory_space<vmem>> -> memref<512xf32, #tpu.memory_space<vmem>>
      tpu.wait_dma2 semaphore(%run_scoped3A_24 : memref<!tpu.dma_semaphore, #tpu.memory_space<semaphore_mem>>) src(%dma_wait3A_38 : memref<512xf32, #tpu.memory_space<vmem>>) dst(%dma_wait3A_36 : memref<512xf32, #tpu.memory_space<hbm>>)
      tpu.yield
    }) : () -> ()
    %run_scoped3A_17 = arith.constant 9 : i32
    "tpu.region"() ({
      %run_scoped3A_24 = tpu.sem_alloc : memref<!tpu.dma_semaphore, #tpu.memory_space<semaphore_mem>>
      %dma_start3A = arith.constant 4608 : i32
      %dma_start3A_25 = tpu.memref_slice %arg7[%dma_start3A] : memref<8192xf32, #tpu.memory_space<vmem>> -> memref<512xf32, #tpu.memory_space<vmem>>
      %dma_start3A_26 = tpu.memref_slice %arg4[%run_scoped3A_17, %mul3A_2] : memref<16x16384xf32, #tpu.memory_space<hbm>> -> memref<1x512xf32, #tpu.memory_space<hbm>>
      %dma_start3A_27 = tpu.memref_squeeze %dma_start3A_26 : memref<1x512xf32, #tpu.memory_space<hbm>> -> memref<512xf32, #tpu.memory_space<hbm>>
      %dma_start3A_28 = tpu.memref_slice %arg4[%run_scoped3A_17, %mul3A_2] : memref<16x16384xf32, #tpu.memory_space<hbm>> -> memref<1x512xf32, #tpu.memory_space<hbm>>
      %dma_start3A_29 = tpu.memref_squeeze %dma_start3A_28 : memref<1x512xf32, #tpu.memory_space<hbm>> -> memref<512xf32, #tpu.memory_space<hbm>>
      %dma_start3A_30 = arith.constant 4608 : i32
      %dma_start3A_31 = tpu.memref_slice %arg7[%dma_start3A_30] : memref<8192xf32, #tpu.memory_space<vmem>> -> memref<512xf32, #tpu.memory_space<vmem>>
      tpu.enqueue_dma source(%dma_start3A_31 : memref<512xf32, #tpu.memory_space<vmem>>) target(%dma_start3A_29 : memref<512xf32, #tpu.memory_space<hbm>>) target_semaphore(%run_scoped3A_24 : memref<!tpu.dma_semaphore, #tpu.memory_space<semaphore_mem>>)
      %dma_wait3A = arith.constant 4608 : i32
      %dma_wait3A_32 = tpu.memref_slice %arg7[%dma_wait3A] : memref<8192xf32, #tpu.memory_space<vmem>> -> memref<512xf32, #tpu.memory_space<vmem>>
      %dma_wait3A_33 = tpu.memref_slice %arg4[%run_scoped3A_17, %mul3A_2] : memref<16x16384xf32, #tpu.memory_space<hbm>> -> memref<1x512xf32, #tpu.memory_space<hbm>>
      %dma_wait3A_34 = tpu.memref_squeeze %dma_wait3A_33 : memref<1x512xf32, #tpu.memory_space<hbm>> -> memref<512xf32, #tpu.memory_space<hbm>>
      %dma_wait3A_35 = tpu.memref_slice %arg4[%run_scoped3A_17, %mul3A_2] : memref<16x16384xf32, #tpu.memory_space<hbm>> -> memref<1x512xf32, #tpu.memory_space<hbm>>
      %dma_wait3A_36 = tpu.memref_squeeze %dma_wait3A_35 : memref<1x512xf32, #tpu.memory_space<hbm>> -> memref<512xf32, #tpu.memory_space<hbm>>
      %dma_wait3A_37 = arith.constant 4608 : i32
      %dma_wait3A_38 = tpu.memref_slice %arg7[%dma_wait3A_37] : memref<8192xf32, #tpu.memory_space<vmem>> -> memref<512xf32, #tpu.memory_space<vmem>>
      tpu.wait_dma2 semaphore(%run_scoped3A_24 : memref<!tpu.dma_semaphore, #tpu.memory_space<semaphore_mem>>) src(%dma_wait3A_38 : memref<512xf32, #tpu.memory_space<vmem>>) dst(%dma_wait3A_36 : memref<512xf32, #tpu.memory_space<hbm>>)
      tpu.yield
    }) : () -> ()
    %run_scoped3A_18 = arith.constant 10 : i32
    "tpu.region"() ({
      %run_scoped3A_24 = tpu.sem_alloc : memref<!tpu.dma_semaphore, #tpu.memory_space<semaphore_mem>>
      %dma_start3A = arith.constant 5120 : i32
      %dma_start3A_25 = tpu.memref_slice %arg7[%dma_start3A] : memref<8192xf32, #tpu.memory_space<vmem>> -> memref<512xf32, #tpu.memory_space<vmem>>
      %dma_start3A_26 = tpu.memref_slice %arg4[%run_scoped3A_18, %mul3A_2] : memref<16x16384xf32, #tpu.memory_space<hbm>> -> memref<1x512xf32, #tpu.memory_space<hbm>>
      %dma_start3A_27 = tpu.memref_squeeze %dma_start3A_26 : memref<1x512xf32, #tpu.memory_space<hbm>> -> memref<512xf32, #tpu.memory_space<hbm>>
      %dma_start3A_28 = tpu.memref_slice %arg4[%run_scoped3A_18, %mul3A_2] : memref<16x16384xf32, #tpu.memory_space<hbm>> -> memref<1x512xf32, #tpu.memory_space<hbm>>
      %dma_start3A_29 = tpu.memref_squeeze %dma_start3A_28 : memref<1x512xf32, #tpu.memory_space<hbm>> -> memref<512xf32, #tpu.memory_space<hbm>>
      %dma_start3A_30 = arith.constant 5120 : i32
      %dma_start3A_31 = tpu.memref_slice %arg7[%dma_start3A_30] : memref<8192xf32, #tpu.memory_space<vmem>> -> memref<512xf32, #tpu.memory_space<vmem>>
      tpu.enqueue_dma source(%dma_start3A_31 : memref<512xf32, #tpu.memory_space<vmem>>) target(%dma_start3A_29 : memref<512xf32, #tpu.memory_space<hbm>>) target_semaphore(%run_scoped3A_24 : memref<!tpu.dma_semaphore, #tpu.memory_space<semaphore_mem>>)
      %dma_wait3A = arith.constant 5120 : i32
      %dma_wait3A_32 = tpu.memref_slice %arg7[%dma_wait3A] : memref<8192xf32, #tpu.memory_space<vmem>> -> memref<512xf32, #tpu.memory_space<vmem>>
      %dma_wait3A_33 = tpu.memref_slice %arg4[%run_scoped3A_18, %mul3A_2] : memref<16x16384xf32, #tpu.memory_space<hbm>> -> memref<1x512xf32, #tpu.memory_space<hbm>>
      %dma_wait3A_34 = tpu.memref_squeeze %dma_wait3A_33 : memref<1x512xf32, #tpu.memory_space<hbm>> -> memref<512xf32, #tpu.memory_space<hbm>>
      %dma_wait3A_35 = tpu.memref_slice %arg4[%run_scoped3A_18, %mul3A_2] : memref<16x16384xf32, #tpu.memory_space<hbm>> -> memref<1x512xf32, #tpu.memory_space<hbm>>
      %dma_wait3A_36 = tpu.memref_squeeze %dma_wait3A_35 : memref<1x512xf32, #tpu.memory_space<hbm>> -> memref<512xf32, #tpu.memory_space<hbm>>
      %dma_wait3A_37 = arith.constant 5120 : i32
      %dma_wait3A_38 = tpu.memref_slice %arg7[%dma_wait3A_37] : memref<8192xf32, #tpu.memory_space<vmem>> -> memref<512xf32, #tpu.memory_space<vmem>>
      tpu.wait_dma2 semaphore(%run_scoped3A_24 : memref<!tpu.dma_semaphore, #tpu.memory_space<semaphore_mem>>) src(%dma_wait3A_38 : memref<512xf32, #tpu.memory_space<vmem>>) dst(%dma_wait3A_36 : memref<512xf32, #tpu.memory_space<hbm>>)
      tpu.yield
    }) : () -> ()
    %run_scoped3A_19 = arith.constant 11 : i32
    "tpu.region"() ({
      %run_scoped3A_24 = tpu.sem_alloc : memref<!tpu.dma_semaphore, #tpu.memory_space<semaphore_mem>>
      %dma_start3A = arith.constant 5632 : i32
      %dma_start3A_25 = tpu.memref_slice %arg7[%dma_start3A] : memref<8192xf32, #tpu.memory_space<vmem>> -> memref<512xf32, #tpu.memory_space<vmem>>
      %dma_start3A_26 = tpu.memref_slice %arg4[%run_scoped3A_19, %mul3A_2] : memref<16x16384xf32, #tpu.memory_space<hbm>> -> memref<1x512xf32, #tpu.memory_space<hbm>>
      %dma_start3A_27 = tpu.memref_squeeze %dma_start3A_26 : memref<1x512xf32, #tpu.memory_space<hbm>> -> memref<512xf32, #tpu.memory_space<hbm>>
      %dma_start3A_28 = tpu.memref_slice %arg4[%run_scoped3A_19, %mul3A_2] : memref<16x16384xf32, #tpu.memory_space<hbm>> -> memref<1x512xf32, #tpu.memory_space<hbm>>
      %dma_start3A_29 = tpu.memref_squeeze %dma_start3A_28 : memref<1x512xf32, #tpu.memory_space<hbm>> -> memref<512xf32, #tpu.memory_space<hbm>>
      %dma_start3A_30 = arith.constant 5632 : i32
      %dma_start3A_31 = tpu.memref_slice %arg7[%dma_start3A_30] : memref<8192xf32, #tpu.memory_space<vmem>> -> memref<512xf32, #tpu.memory_space<vmem>>
      tpu.enqueue_dma source(%dma_start3A_31 : memref<512xf32, #tpu.memory_space<vmem>>) target(%dma_start3A_29 : memref<512xf32, #tpu.memory_space<hbm>>) target_semaphore(%run_scoped3A_24 : memref<!tpu.dma_semaphore, #tpu.memory_space<semaphore_mem>>)
      %dma_wait3A = arith.constant 5632 : i32
      %dma_wait3A_32 = tpu.memref_slice %arg7[%dma_wait3A] : memref<8192xf32, #tpu.memory_space<vmem>> -> memref<512xf32, #tpu.memory_space<vmem>>
      %dma_wait3A_33 = tpu.memref_slice %arg4[%run_scoped3A_19, %mul3A_2] : memref<16x16384xf32, #tpu.memory_space<hbm>> -> memref<1x512xf32, #tpu.memory_space<hbm>>
      %dma_wait3A_34 = tpu.memref_squeeze %dma_wait3A_33 : memref<1x512xf32, #tpu.memory_space<hbm>> -> memref<512xf32, #tpu.memory_space<hbm>>
      %dma_wait3A_35 = tpu.memref_slice %arg4[%run_scoped3A_19, %mul3A_2] : memref<16x16384xf32, #tpu.memory_space<hbm>> -> memref<1x512xf32, #tpu.memory_space<hbm>>
      %dma_wait3A_36 = tpu.memref_squeeze %dma_wait3A_35 : memref<1x512xf32, #tpu.memory_space<hbm>> -> memref<512xf32, #tpu.memory_space<hbm>>
      %dma_wait3A_37 = arith.constant 5632 : i32
      %dma_wait3A_38 = tpu.memref_slice %arg7[%dma_wait3A_37] : memref<8192xf32, #tpu.memory_space<vmem>> -> memref<512xf32, #tpu.memory_space<vmem>>
      tpu.wait_dma2 semaphore(%run_scoped3A_24 : memref<!tpu.dma_semaphore, #tpu.memory_space<semaphore_mem>>) src(%dma_wait3A_38 : memref<512xf32, #tpu.memory_space<vmem>>) dst(%dma_wait3A_36 : memref<512xf32, #tpu.memory_space<hbm>>)
      tpu.yield
    }) : () -> ()
    %run_scoped3A_20 = arith.constant 12 : i32
    "tpu.region"() ({
      %run_scoped3A_24 = tpu.sem_alloc : memref<!tpu.dma_semaphore, #tpu.memory_space<semaphore_mem>>
      %dma_start3A = arith.constant 6144 : i32
      %dma_start3A_25 = tpu.memref_slice %arg7[%dma_start3A] : memref<8192xf32, #tpu.memory_space<vmem>> -> memref<512xf32, #tpu.memory_space<vmem>>
      %dma_start3A_26 = tpu.memref_slice %arg4[%run_scoped3A_20, %mul3A_2] : memref<16x16384xf32, #tpu.memory_space<hbm>> -> memref<1x512xf32, #tpu.memory_space<hbm>>
      %dma_start3A_27 = tpu.memref_squeeze %dma_start3A_26 : memref<1x512xf32, #tpu.memory_space<hbm>> -> memref<512xf32, #tpu.memory_space<hbm>>
      %dma_start3A_28 = tpu.memref_slice %arg4[%run_scoped3A_20, %mul3A_2] : memref<16x16384xf32, #tpu.memory_space<hbm>> -> memref<1x512xf32, #tpu.memory_space<hbm>>
      %dma_start3A_29 = tpu.memref_squeeze %dma_start3A_28 : memref<1x512xf32, #tpu.memory_space<hbm>> -> memref<512xf32, #tpu.memory_space<hbm>>
      %dma_start3A_30 = arith.constant 6144 : i32
      %dma_start3A_31 = tpu.memref_slice %arg7[%dma_start3A_30] : memref<8192xf32, #tpu.memory_space<vmem>> -> memref<512xf32, #tpu.memory_space<vmem>>
      tpu.enqueue_dma source(%dma_start3A_31 : memref<512xf32, #tpu.memory_space<vmem>>) target(%dma_start3A_29 : memref<512xf32, #tpu.memory_space<hbm>>) target_semaphore(%run_scoped3A_24 : memref<!tpu.dma_semaphore, #tpu.memory_space<semaphore_mem>>)
      %dma_wait3A = arith.constant 6144 : i32
      %dma_wait3A_32 = tpu.memref_slice %arg7[%dma_wait3A] : memref<8192xf32, #tpu.memory_space<vmem>> -> memref<512xf32, #tpu.memory_space<vmem>>
      %dma_wait3A_33 = tpu.memref_slice %arg4[%run_scoped3A_20, %mul3A_2] : memref<16x16384xf32, #tpu.memory_space<hbm>> -> memref<1x512xf32, #tpu.memory_space<hbm>>
      %dma_wait3A_34 = tpu.memref_squeeze %dma_wait3A_33 : memref<1x512xf32, #tpu.memory_space<hbm>> -> memref<512xf32, #tpu.memory_space<hbm>>
      %dma_wait3A_35 = tpu.memref_slice %arg4[%run_scoped3A_20, %mul3A_2] : memref<16x16384xf32, #tpu.memory_space<hbm>> -> memref<1x512xf32, #tpu.memory_space<hbm>>
      %dma_wait3A_36 = tpu.memref_squeeze %dma_wait3A_35 : memref<1x512xf32, #tpu.memory_space<hbm>> -> memref<512xf32, #tpu.memory_space<hbm>>
      %dma_wait3A_37 = arith.constant 6144 : i32
      %dma_wait3A_38 = tpu.memref_slice %arg7[%dma_wait3A_37] : memref<8192xf32, #tpu.memory_space<vmem>> -> memref<512xf32, #tpu.memory_space<vmem>>
      tpu.wait_dma2 semaphore(%run_scoped3A_24 : memref<!tpu.dma_semaphore, #tpu.memory_space<semaphore_mem>>) src(%dma_wait3A_38 : memref<512xf32, #tpu.memory_space<vmem>>) dst(%dma_wait3A_36 : memref<512xf32, #tpu.memory_space<hbm>>)
      tpu.yield
    }) : () -> ()
    %run_scoped3A_21 = arith.constant 13 : i32
    "tpu.region"() ({
      %run_scoped3A_24 = tpu.sem_alloc : memref<!tpu.dma_semaphore, #tpu.memory_space<semaphore_mem>>
      %dma_start3A = arith.constant 6656 : i32
      %dma_start3A_25 = tpu.memref_slice %arg7[%dma_start3A] : memref<8192xf32, #tpu.memory_space<vmem>> -> memref<512xf32, #tpu.memory_space<vmem>>
      %dma_start3A_26 = tpu.memref_slice %arg4[%run_scoped3A_21, %mul3A_2] : memref<16x16384xf32, #tpu.memory_space<hbm>> -> memref<1x512xf32, #tpu.memory_space<hbm>>
      %dma_start3A_27 = tpu.memref_squeeze %dma_start3A_26 : memref<1x512xf32, #tpu.memory_space<hbm>> -> memref<512xf32, #tpu.memory_space<hbm>>
      %dma_start3A_28 = tpu.memref_slice %arg4[%run_scoped3A_21, %mul3A_2] : memref<16x16384xf32, #tpu.memory_space<hbm>> -> memref<1x512xf32, #tpu.memory_space<hbm>>
      %dma_start3A_29 = tpu.memref_squeeze %dma_start3A_28 : memref<1x512xf32, #tpu.memory_space<hbm>> -> memref<512xf32, #tpu.memory_space<hbm>>
      %dma_start3A_30 = arith.constant 6656 : i32
      %dma_start3A_31 = tpu.memref_slice %arg7[%dma_start3A_30] : memref<8192xf32, #tpu.memory_space<vmem>> -> memref<512xf32, #tpu.memory_space<vmem>>
      tpu.enqueue_dma source(%dma_start3A_31 : memref<512xf32, #tpu.memory_space<vmem>>) target(%dma_start3A_29 : memref<512xf32, #tpu.memory_space<hbm>>) target_semaphore(%run_scoped3A_24 : memref<!tpu.dma_semaphore, #tpu.memory_space<semaphore_mem>>)
      %dma_wait3A = arith.constant 6656 : i32
      %dma_wait3A_32 = tpu.memref_slice %arg7[%dma_wait3A] : memref<8192xf32, #tpu.memory_space<vmem>> -> memref<512xf32, #tpu.memory_space<vmem>>
      %dma_wait3A_33 = tpu.memref_slice %arg4[%run_scoped3A_21, %mul3A_2] : memref<16x16384xf32, #tpu.memory_space<hbm>> -> memref<1x512xf32, #tpu.memory_space<hbm>>
      %dma_wait3A_34 = tpu.memref_squeeze %dma_wait3A_33 : memref<1x512xf32, #tpu.memory_space<hbm>> -> memref<512xf32, #tpu.memory_space<hbm>>
      %dma_wait3A_35 = tpu.memref_slice %arg4[%run_scoped3A_21, %mul3A_2] : memref<16x16384xf32, #tpu.memory_space<hbm>> -> memref<1x512xf32, #tpu.memory_space<hbm>>
      %dma_wait3A_36 = tpu.memref_squeeze %dma_wait3A_35 : memref<1x512xf32, #tpu.memory_space<hbm>> -> memref<512xf32, #tpu.memory_space<hbm>>
      %dma_wait3A_37 = arith.constant 6656 : i32
      %dma_wait3A_38 = tpu.memref_slice %arg7[%dma_wait3A_37] : memref<8192xf32, #tpu.memory_space<vmem>> -> memref<512xf32, #tpu.memory_space<vmem>>
      tpu.wait_dma2 semaphore(%run_scoped3A_24 : memref<!tpu.dma_semaphore, #tpu.memory_space<semaphore_mem>>) src(%dma_wait3A_38 : memref<512xf32, #tpu.memory_space<vmem>>) dst(%dma_wait3A_36 : memref<512xf32, #tpu.memory_space<hbm>>)
      tpu.yield
    }) : () -> ()
    %run_scoped3A_22 = arith.constant 14 : i32
    "tpu.region"() ({
      %run_scoped3A_24 = tpu.sem_alloc : memref<!tpu.dma_semaphore, #tpu.memory_space<semaphore_mem>>
      %dma_start3A = arith.constant 7168 : i32
      %dma_start3A_25 = tpu.memref_slice %arg7[%dma_start3A] : memref<8192xf32, #tpu.memory_space<vmem>> -> memref<512xf32, #tpu.memory_space<vmem>>
      %dma_start3A_26 = tpu.memref_slice %arg4[%run_scoped3A_22, %mul3A_2] : memref<16x16384xf32, #tpu.memory_space<hbm>> -> memref<1x512xf32, #tpu.memory_space<hbm>>
      %dma_start3A_27 = tpu.memref_squeeze %dma_start3A_26 : memref<1x512xf32, #tpu.memory_space<hbm>> -> memref<512xf32, #tpu.memory_space<hbm>>
      %dma_start3A_28 = tpu.memref_slice %arg4[%run_scoped3A_22, %mul3A_2] : memref<16x16384xf32, #tpu.memory_space<hbm>> -> memref<1x512xf32, #tpu.memory_space<hbm>>
      %dma_start3A_29 = tpu.memref_squeeze %dma_start3A_28 : memref<1x512xf32, #tpu.memory_space<hbm>> -> memref<512xf32, #tpu.memory_space<hbm>>
      %dma_start3A_30 = arith.constant 7168 : i32
      %dma_start3A_31 = tpu.memref_slice %arg7[%dma_start3A_30] : memref<8192xf32, #tpu.memory_space<vmem>> -> memref<512xf32, #tpu.memory_space<vmem>>
      tpu.enqueue_dma source(%dma_start3A_31 : memref<512xf32, #tpu.memory_space<vmem>>) target(%dma_start3A_29 : memref<512xf32, #tpu.memory_space<hbm>>) target_semaphore(%run_scoped3A_24 : memref<!tpu.dma_semaphore, #tpu.memory_space<semaphore_mem>>)
      %dma_wait3A = arith.constant 7168 : i32
      %dma_wait3A_32 = tpu.memref_slice %arg7[%dma_wait3A] : memref<8192xf32, #tpu.memory_space<vmem>> -> memref<512xf32, #tpu.memory_space<vmem>>
      %dma_wait3A_33 = tpu.memref_slice %arg4[%run_scoped3A_22, %mul3A_2] : memref<16x16384xf32, #tpu.memory_space<hbm>> -> memref<1x512xf32, #tpu.memory_space<hbm>>
      %dma_wait3A_34 = tpu.memref_squeeze %dma_wait3A_33 : memref<1x512xf32, #tpu.memory_space<hbm>> -> memref<512xf32, #tpu.memory_space<hbm>>
      %dma_wait3A_35 = tpu.memref_slice %arg4[%run_scoped3A_22, %mul3A_2] : memref<16x16384xf32, #tpu.memory_space<hbm>> -> memref<1x512xf32, #tpu.memory_space<hbm>>
      %dma_wait3A_36 = tpu.memref_squeeze %dma_wait3A_35 : memref<1x512xf32, #tpu.memory_space<hbm>> -> memref<512xf32, #tpu.memory_space<hbm>>
      %dma_wait3A_37 = arith.constant 7168 : i32
      %dma_wait3A_38 = tpu.memref_slice %arg7[%dma_wait3A_37] : memref<8192xf32, #tpu.memory_space<vmem>> -> memref<512xf32, #tpu.memory_space<vmem>>
      tpu.wait_dma2 semaphore(%run_scoped3A_24 : memref<!tpu.dma_semaphore, #tpu.memory_space<semaphore_mem>>) src(%dma_wait3A_38 : memref<512xf32, #tpu.memory_space<vmem>>) dst(%dma_wait3A_36 : memref<512xf32, #tpu.memory_space<hbm>>)
      tpu.yield
    }) : () -> ()
    %run_scoped3A_23 = arith.constant 15 : i32
    "tpu.region"() ({
      %run_scoped3A_24 = tpu.sem_alloc : memref<!tpu.dma_semaphore, #tpu.memory_space<semaphore_mem>>
      %dma_start3A = arith.constant 7680 : i32
      %dma_start3A_25 = tpu.memref_slice %arg7[%dma_start3A] : memref<8192xf32, #tpu.memory_space<vmem>> -> memref<512xf32, #tpu.memory_space<vmem>>
      %dma_start3A_26 = tpu.memref_slice %arg4[%run_scoped3A_23, %mul3A_2] : memref<16x16384xf32, #tpu.memory_space<hbm>> -> memref<1x512xf32, #tpu.memory_space<hbm>>
      %dma_start3A_27 = tpu.memref_squeeze %dma_start3A_26 : memref<1x512xf32, #tpu.memory_space<hbm>> -> memref<512xf32, #tpu.memory_space<hbm>>
      %dma_start3A_28 = tpu.memref_slice %arg4[%run_scoped3A_23, %mul3A_2] : memref<16x16384xf32, #tpu.memory_space<hbm>> -> memref<1x512xf32, #tpu.memory_space<hbm>>
      %dma_start3A_29 = tpu.memref_squeeze %dma_start3A_28 : memref<1x512xf32, #tpu.memory_space<hbm>> -> memref<512xf32, #tpu.memory_space<hbm>>
      %dma_start3A_30 = arith.constant 7680 : i32
      %dma_start3A_31 = tpu.memref_slice %arg7[%dma_start3A_30] : memref<8192xf32, #tpu.memory_space<vmem>> -> memref<512xf32, #tpu.memory_space<vmem>>
      tpu.enqueue_dma source(%dma_start3A_31 : memref<512xf32, #tpu.memory_space<vmem>>) target(%dma_start3A_29 : memref<512xf32, #tpu.memory_space<hbm>>) target_semaphore(%run_scoped3A_24 : memref<!tpu.dma_semaphore, #tpu.memory_space<semaphore_mem>>)
      %dma_wait3A = arith.constant 7680 : i32
      %dma_wait3A_32 = tpu.memref_slice %arg7[%dma_wait3A] : memref<8192xf32, #tpu.memory_space<vmem>> -> memref<512xf32, #tpu.memory_space<vmem>>
      %dma_wait3A_33 = tpu.memref_slice %arg4[%run_scoped3A_23, %mul3A_2] : memref<16x16384xf32, #tpu.memory_space<hbm>> -> memref<1x512xf32, #tpu.memory_space<hbm>>
      %dma_wait3A_34 = tpu.memref_squeeze %dma_wait3A_33 : memref<1x512xf32, #tpu.memory_space<hbm>> -> memref<512xf32, #tpu.memory_space<hbm>>
      %dma_wait3A_35 = tpu.memref_slice %arg4[%run_scoped3A_23, %mul3A_2] : memref<16x16384xf32, #tpu.memory_space<hbm>> -> memref<1x512xf32, #tpu.memory_space<hbm>>
      %dma_wait3A_36 = tpu.memref_squeeze %dma_wait3A_35 : memref<1x512xf32, #tpu.memory_space<hbm>> -> memref<512xf32, #tpu.memory_space<hbm>>
      %dma_wait3A_37 = arith.constant 7680 : i32
      %dma_wait3A_38 = tpu.memref_slice %arg7[%dma_wait3A_37] : memref<8192xf32, #tpu.memory_space<vmem>> -> memref<512xf32, #tpu.memory_space<vmem>>
      tpu.wait_dma2 semaphore(%run_scoped3A_24 : memref<!tpu.dma_semaphore, #tpu.memory_space<semaphore_mem>>) src(%dma_wait3A_38 : memref<512xf32, #tpu.memory_space<vmem>>) dst(%dma_wait3A_36 : memref<512xf32, #tpu.memory_space<hbm>>)
      tpu.yield
    }) : () -> ()
    return
  }
}

module attributes {stable_mosaic.version = 14 : i64} {
  func.func @_fused_body(%arg0: i32, %arg1: memref<16x2048xf32, #tpu.memory_space<vmem>>, %arg2: memref<2048x6xf32, #tpu.memory_space<vmem>>, %arg3: memref<10x256xf32, #tpu.memory_space<vmem>>, %arg4: memref<5x64xf32, #tpu.memory_space<vmem>>, %arg5: memref<6x128xf32, #tpu.memory_space<vmem>>, %arg6: memref<1x128xf32, #tpu.memory_space<vmem>>, %arg7: memref<128x128xf32, #tpu.memory_space<vmem>>, %arg8: memref<1x128xf32, #tpu.memory_space<vmem>>, %arg9: memref<448x512xf32, #tpu.memory_space<vmem>>, %arg10: memref<1x512xf32, #tpu.memory_space<vmem>>, %arg11: memref<512x512xf32, #tpu.memory_space<vmem>>, %arg12: memref<1x512xf32, #tpu.memory_space<vmem>>, %arg13: memref<2048x512xf32, #tpu.memory_space<vmem>>, %arg14: memref<16x512xf32, #tpu.memory_space<vmem>>) attributes {dimension_semantics = [#tpu.dimension_semantics<parallel>], iteration_bounds = array<i64: 8>, scalar_prefetch = 0 : i64, scratch_operands = 1 : i64, tpu.core_type = #tpu.core_type<tc>, window_params = [{transform_indices = @transform_0, window_bounds = array<i64: 16, 2048>}, {transform_indices = @transform_1, window_bounds = array<i64: 2048, 6>}, {pipeline_mode = #tpu.pipeline_mode<synchronous>, transform_indices = @transform_2, window_bounds = array<i64: 10, 256>}, {pipeline_mode = #tpu.pipeline_mode<synchronous>, transform_indices = @transform_3, window_bounds = array<i64: 5, 64>}, {pipeline_mode = #tpu.pipeline_mode<synchronous>, transform_indices = @transform_4, window_bounds = array<i64: 6, 128>}, {pipeline_mode = #tpu.pipeline_mode<synchronous>, transform_indices = @transform_5, window_bounds = array<i64: 1, 128>}, {pipeline_mode = #tpu.pipeline_mode<synchronous>, transform_indices = @transform_6, window_bounds = array<i64: 128, 128>}, {pipeline_mode = #tpu.pipeline_mode<synchronous>, transform_indices = @transform_7, window_bounds = array<i64: 1, 128>}, {pipeline_mode = #tpu.pipeline_mode<synchronous>, transform_indices = @transform_8, window_bounds = array<i64: 448, 512>}, {pipeline_mode = #tpu.pipeline_mode<synchronous>, transform_indices = @transform_9, window_bounds = array<i64: 1, 512>}, {pipeline_mode = #tpu.pipeline_mode<synchronous>, transform_indices = @transform_10, window_bounds = array<i64: 512, 512>}, {pipeline_mode = #tpu.pipeline_mode<synchronous>, transform_indices = @transform_11, window_bounds = array<i64: 1, 512>}, {transform_indices = @transform_12, window_bounds = array<i64: 2048, 512>}]} {
    %eq3A = arith.constant 0 : i32
    %eq3A_0 = arith.cmpi eq, %arg0, %eq3A : i32
    %convert_element_type3A = arith.extui %eq3A_0 : i1 to i32
    %cond3A = arith.constant 0 : i32
    %cond3A_1 = arith.cmpi ne, %convert_element_type3A, %cond3A : i32
    scf.if %cond3A_1 {
      %get3A_73 = arith.constant 0 : index
      %get3A_74 = arith.constant 0 : index
      %get3A_75 = vector.load %arg3[%get3A_73, %get3A_74] : memref<10x256xf32, #tpu.memory_space<vmem>>, vector<10x256xf32>
      %get3A_76 = arith.constant 0 : index
      %get3A_77 = arith.constant 0 : index
      %get3A_78 = vector.load %arg9[%get3A_76, %get3A_77] : memref<448x512xf32, #tpu.memory_space<vmem>>, vector<256x512xf32>
      %dot_general3A_79 = arith.constant dense<0.000000e+00> : vector<10x512xf32>
      %dot_general3A_80 = tpu.matmul %get3A_75, %get3A_78, %dot_general3A_79 {dimension_numbers = #tpu.dot_dimension_numbers<[1], [0], [0], [1], [0, 0, 1, 1], [], []>, transpose_lhs_hint = false} : vector<10x256xf32>, vector<256x512xf32>, vector<10x512xf32> -> vector<10x512xf32>
      %swap3A_81 = arith.constant 0 : index
      %swap3A_82 = arith.constant 0 : index
      %swap3A_83 = vector.load %arg14[%swap3A_81, %swap3A_82] : memref<16x512xf32, #tpu.memory_space<vmem>>, vector<10x512xf32>
      tpu.vector_store %arg14[%swap3A_81, %swap3A_82], %dot_general3A_80 {strides = array<i32>} : memref<16x512xf32, #tpu.memory_space<vmem>>, vector<10x512xf32>,
      %get3A_84 = arith.constant 0 : index
      %get3A_85 = arith.constant 0 : index
      %get3A_86 = vector.load %arg4[%get3A_84, %get3A_85] : memref<5x64xf32, #tpu.memory_space<vmem>>, vector<5x64xf32>
      %get3A_87 = arith.constant 384 : index
      %get3A_88 = arith.constant 0 : index
      %get3A_89 = vector.load %arg9[%get3A_87, %get3A_88] : memref<448x512xf32, #tpu.memory_space<vmem>>, vector<64x512xf32>
      %dot_general3A_90 = arith.constant dense<0.000000e+00> : vector<5x512xf32>
      %dot_general3A_91 = tpu.matmul %get3A_86, %get3A_89, %dot_general3A_90 {dimension_numbers = #tpu.dot_dimension_numbers<[1], [0], [0], [1], [0, 0, 1, 1], [], []>, transpose_lhs_hint = false} : vector<5x64xf32>, vector<64x512xf32>, vector<5x512xf32> -> vector<5x512xf32>
      %swap3A_92 = arith.constant 10 : index
      %swap3A_93 = arith.constant 0 : index
      %swap3A_94 = vector.load %arg14[%swap3A_92, %swap3A_93] : memref<16x512xf32, #tpu.memory_space<vmem>>, vector<5x512xf32>
      tpu.vector_store %arg14[%swap3A_92, %swap3A_93], %dot_general3A_91 {strides = array<i32>} : memref<16x512xf32, #tpu.memory_space<vmem>>, vector<5x512xf32>,
      %get3A_95 = arith.constant 0 : index
      %get3A_96 = arith.constant 0 : index
      %get3A_97 = vector.load %arg10[%get3A_95, %get3A_96] : memref<1x512xf32, #tpu.memory_space<vmem>>, vector<1x512xf32>
      %swap3A_98 = arith.constant 15 : index
      %swap3A_99 = arith.constant 0 : index
      %swap3A_100 = vector.load %arg14[%swap3A_98, %swap3A_99] : memref<16x512xf32, #tpu.memory_space<vmem>>, vector<1x512xf32>
      tpu.vector_store %arg14[%swap3A_98, %swap3A_99], %get3A_97 {strides = array<i32>} : memref<16x512xf32, #tpu.memory_space<vmem>>, vector<1x512xf32>,
    } else {
    }
    %get3A = arith.constant 0 : index
    %get3A_2 = arith.constant 0 : index
    %get3A_3 = vector.load %arg1[%get3A, %get3A_2] : memref<16x2048xf32, #tpu.memory_space<vmem>>, vector<16x2048xf32>
    %get3A_4 = arith.constant 0 : index
    %get3A_5 = arith.constant 0 : index
    %get3A_6 = vector.load %arg14[%get3A_4, %get3A_5] : memref<16x512xf32, #tpu.memory_space<vmem>>, vector<16x512xf32>
    %dot_general3A = arith.constant dense<0.000000e+00> : vector<2048x512xf32>
    %dot_general3A_7 = tpu.matmul %get3A_3, %get3A_6, %dot_general3A {dimension_numbers = #tpu.dot_dimension_numbers<[0], [0], [1], [1], [0, 1, 1, 1], [], []>, transpose_lhs_hint = false} : vector<16x2048xf32>, vector<16x512xf32>, vector<2048x512xf32> -> vector<2048x512xf32>
    %get3A_8 = arith.constant 0 : index
    %get3A_9 = arith.constant 0 : index
    %get3A_10 = vector.load %arg2[%get3A_8, %get3A_9] : memref<2048x6xf32, #tpu.memory_space<vmem>>, vector<2048x6xf32>
    %get3A_11 = arith.constant 0 : index
    %get3A_12 = arith.constant 0 : index
    %get3A_13 = vector.load %arg5[%get3A_11, %get3A_12] : memref<6x128xf32, #tpu.memory_space<vmem>>, vector<6x128xf32>
    %dot_general3A_14 = arith.constant dense<0.000000e+00> : vector<2048x128xf32>
    %dot_general3A_15 = tpu.matmul %get3A_10, %get3A_13, %dot_general3A_14 {dimension_numbers = #tpu.dot_dimension_numbers<[1], [0], [0], [1], [0, 0, 1, 1], [], []>, transpose_lhs_hint = false} : vector<2048x6xf32>, vector<6x128xf32>, vector<2048x128xf32> -> vector<2048x128xf32>
    %get3A_16 = arith.constant 0 : index
    %get3A_17 = arith.constant 0 : index
    %get3A_18 = vector.load %arg6[%get3A_16, %get3A_17] : memref<1x128xf32, #tpu.memory_space<vmem>>, vector<1x128xf32>
    %get3A_19 = vector.shape_cast %get3A_18 : vector<1x128xf32> to vector<128xf32>
    %broadcast_in_dim3A = vector.shape_cast %get3A_19 : vector<128xf32> to vector<1x128xf32>
    %add3A = vector.broadcast %broadcast_in_dim3A : vector<1x128xf32> to vector<2048x128xf32>
    %add3A_20 = arith.addf %dot_general3A_15, %add3A : vector<2048x128xf32>
    %mul3A = arith.constant 5.000000e-01 : f32
    %mul3A_21 = vector.broadcast %mul3A : f32 to vector<2048x128xf32>
    %mul3A_22 = arith.mulf %mul3A_21, %add3A_20 : vector<2048x128xf32>
    %mul3A_23 = arith.constant 0.707106769 : f32
    %mul3A_24 = vector.broadcast %mul3A_23 : f32 to vector<2048x128xf32>
    %mul3A_25 = arith.mulf %add3A_20, %mul3A_24 : vector<2048x128xf32>
    %erf3A = math.erf %mul3A_25 : vector<2048x128xf32>
    %add3A_26 = arith.constant 1.000000e+00 : f32
    %add3A_27 = vector.broadcast %add3A_26 : f32 to vector<2048x128xf32>
    %add3A_28 = arith.addf %add3A_27, %erf3A : vector<2048x128xf32>
    %mul3A_29 = arith.mulf %mul3A_22, %add3A_28 : vector<2048x128xf32>
    %get3A_30 = arith.constant 0 : index
    %get3A_31 = arith.constant 0 : index
    %get3A_32 = vector.load %arg7[%get3A_30, %get3A_31] : memref<128x128xf32, #tpu.memory_space<vmem>>, vector<128x128xf32>
    %dot_general3A_33 = arith.constant dense<0.000000e+00> : vector<2048x128xf32>
    %dot_general3A_34 = tpu.matmul %mul3A_29, %get3A_32, %dot_general3A_33 {dimension_numbers = #tpu.dot_dimension_numbers<[1], [0], [0], [1], [0, 0, 1, 1], [], []>, transpose_lhs_hint = false} : vector<2048x128xf32>, vector<128x128xf32>, vector<2048x128xf32> -> vector<2048x128xf32>
    %get3A_35 = arith.constant 0 : index
    %get3A_36 = arith.constant 0 : index
    %get3A_37 = vector.load %arg8[%get3A_35, %get3A_36] : memref<1x128xf32, #tpu.memory_space<vmem>>, vector<1x128xf32>
    %get3A_38 = vector.shape_cast %get3A_37 : vector<1x128xf32> to vector<128xf32>
    %broadcast_in_dim3A_39 = vector.shape_cast %get3A_38 : vector<128xf32> to vector<1x128xf32>
    %add3A_40 = vector.broadcast %broadcast_in_dim3A_39 : vector<1x128xf32> to vector<2048x128xf32>
    %add3A_41 = arith.addf %dot_general3A_34, %add3A_40 : vector<2048x128xf32>
    %get3A_42 = arith.constant 256 : index
    %get3A_43 = arith.constant 0 : index
    %get3A_44 = vector.load %arg9[%get3A_42, %get3A_43] : memref<448x512xf32, #tpu.memory_space<vmem>>, vector<128x512xf32>
    %dot_general3A_45 = arith.constant dense<0.000000e+00> : vector<2048x512xf32>
    %dot_general3A_46 = tpu.matmul %add3A_41, %get3A_44, %dot_general3A_45 {dimension_numbers = #tpu.dot_dimension_numbers<[1], [0], [0], [1], [0, 0, 1, 1], [], []>, transpose_lhs_hint = false} : vector<2048x128xf32>, vector<128x512xf32>, vector<2048x512xf32> -> vector<2048x512xf32>
    %add3A_47 = arith.addf %dot_general3A_7, %dot_general3A_46 : vector<2048x512xf32>
    %mul3A_48 = arith.constant 5.000000e-01 : f32
    %mul3A_49 = vector.broadcast %mul3A_48 : f32 to vector<2048x512xf32>
    %mul3A_50 = arith.mulf %mul3A_49, %add3A_47 : vector<2048x512xf32>
    %mul3A_51 = arith.constant 0.707106769 : f32
    %mul3A_52 = vector.broadcast %mul3A_51 : f32 to vector<2048x512xf32>
    %mul3A_53 = arith.mulf %add3A_47, %mul3A_52 : vector<2048x512xf32>
    %erf3A_54 = math.erf %mul3A_53 : vector<2048x512xf32>
    %add3A_55 = arith.constant 1.000000e+00 : f32
    %add3A_56 = vector.broadcast %add3A_55 : f32 to vector<2048x512xf32>
    %add3A_57 = arith.addf %add3A_56, %erf3A_54 : vector<2048x512xf32>
    %mul3A_58 = arith.mulf %mul3A_50, %add3A_57 : vector<2048x512xf32>
    %get3A_59 = arith.constant 0 : index
    %get3A_60 = arith.constant 0 : index
    %get3A_61 = vector.load %arg11[%get3A_59, %get3A_60] : memref<512x512xf32, #tpu.memory_space<vmem>>, vector<512x512xf32>
    %dot_general3A_62 = arith.constant dense<0.000000e+00> : vector<2048x512xf32>
    %dot_general3A_63 = tpu.matmul %mul3A_58, %get3A_61, %dot_general3A_62 {dimension_numbers = #tpu.dot_dimension_numbers<[1], [0], [0], [1], [0, 0, 1, 1], [], []>, transpose_lhs_hint = false} : vector<2048x512xf32>, vector<512x512xf32>, vector<2048x512xf32> -> vector<2048x512xf32>
    %get3A_64 = arith.constant 0 : index
    %get3A_65 = arith.constant 0 : index
    %get3A_66 = vector.load %arg12[%get3A_64, %get3A_65] : memref<1x512xf32, #tpu.memory_space<vmem>>, vector<1x512xf32>
    %get3A_67 = vector.shape_cast %get3A_66 : vector<1x512xf32> to vector<512xf32>
    %broadcast_in_dim3A_68 = vector.shape_cast %get3A_67 : vector<512xf32> to vector<1x512xf32>
    %add3A_69 = vector.broadcast %broadcast_in_dim3A_68 : vector<1x512xf32> to vector<2048x512xf32>
    %add3A_70 = arith.addf %dot_general3A_63, %add3A_69 : vector<2048x512xf32>
    %swap3A = arith.constant 0 : index
    %swap3A_71 = arith.constant 0 : index
    %swap3A_72 = vector.load %arg13[%swap3A, %swap3A_71] : memref<2048x512xf32, #tpu.memory_space<vmem>>, vector<2048x512xf32>
    tpu.vector_store %arg13[%swap3A, %swap3A_71], %add3A_70 {strides = array<i32>} : memref<2048x512xf32, #tpu.memory_space<vmem>>, vector<2048x512xf32>,
    return
  }
  func.func @transform_0(%arg0: i32) -> (i32, i32) {
    %c0_i32 = arith.constant 0 : i32
    %c0_i32_0 = arith.constant 0 : i32
    return %c0_i32, %arg0 : i32, i32
  }
  func.func @transform_1(%arg0: i32) -> (i32, i32) {
    %c0_i32 = arith.constant 0 : i32
    %c0_i32_0 = arith.constant 0 : i32
    return %arg0, %c0_i32 : i32, i32
  }
  func.func @transform_2(%arg0: i32) -> (i32, i32) {
    %c0_i32 = arith.constant 0 : i32
    %c0_i32_0 = arith.constant 0 : i32
    %c0_i32_1 = arith.constant 0 : i32
    return %c0_i32, %c0_i32_0 : i32, i32
  }
  func.func @transform_3(%arg0: i32) -> (i32, i32) {
    %c0_i32 = arith.constant 0 : i32
    %c0_i32_0 = arith.constant 0 : i32
    %c0_i32_1 = arith.constant 0 : i32
    return %c0_i32, %c0_i32_0 : i32, i32
  }
  func.func @transform_4(%arg0: i32) -> (i32, i32) {
    %c0_i32 = arith.constant 0 : i32
    %c0_i32_0 = arith.constant 0 : i32
    %c0_i32_1 = arith.constant 0 : i32
    return %c0_i32, %c0_i32_0 : i32, i32
  }
  func.func @transform_5(%arg0: i32) -> (i32, i32) {
    %c0_i32 = arith.constant 0 : i32
    %c0_i32_0 = arith.constant 0 : i32
    %c0_i32_1 = arith.constant 0 : i32
    return %c0_i32, %c0_i32_0 : i32, i32
  }
  func.func @transform_6(%arg0: i32) -> (i32, i32) {
    %c0_i32 = arith.constant 0 : i32
    %c0_i32_0 = arith.constant 0 : i32
    %c0_i32_1 = arith.constant 0 : i32
    return %c0_i32, %c0_i32_0 : i32, i32
  }
  func.func @transform_7(%arg0: i32) -> (i32, i32) {
    %c0_i32 = arith.constant 0 : i32
    %c0_i32_0 = arith.constant 0 : i32
    %c0_i32_1 = arith.constant 0 : i32
    return %c0_i32, %c0_i32_0 : i32, i32
  }
  func.func @transform_8(%arg0: i32) -> (i32, i32) {
    %c0_i32 = arith.constant 0 : i32
    %c0_i32_0 = arith.constant 0 : i32
    %c0_i32_1 = arith.constant 0 : i32
    return %c0_i32, %c0_i32_0 : i32, i32
  }
  func.func @transform_9(%arg0: i32) -> (i32, i32) {
    %c0_i32 = arith.constant 0 : i32
    %c0_i32_0 = arith.constant 0 : i32
    %c0_i32_1 = arith.constant 0 : i32
    return %c0_i32, %c0_i32_0 : i32, i32
  }
  func.func @transform_10(%arg0: i32) -> (i32, i32) {
    %c0_i32 = arith.constant 0 : i32
    %c0_i32_0 = arith.constant 0 : i32
    %c0_i32_1 = arith.constant 0 : i32
    return %c0_i32, %c0_i32_0 : i32, i32
  }
  func.func @transform_11(%arg0: i32) -> (i32, i32) {
    %c0_i32 = arith.constant 0 : i32
    %c0_i32_0 = arith.constant 0 : i32
    %c0_i32_1 = arith.constant 0 : i32
    return %c0_i32, %c0_i32_0 : i32, i32
  }
  func.func @transform_12(%arg0: i32) -> (i32, i32) {
    %c0_i32 = arith.constant 0 : i32
    %c0_i32_0 = arith.constant 0 : i32
    return %arg0, %c0_i32 : i32, i32
  }
}

</mosaic_0001>

<sc_bundles>
// kernel: kernel.4.cloned.1.call-start
scs
__scs_entry_jumppad:
0x0: {  	(pc) =	sbr.rel $0x88, $3  }
0x1: {  	(tag) =	ssettag $0x0;
	lr =	simm.s32 $0x1  }
0x2: {  	[smem:$0x3F94] =	sst lr;
	_ =	strace $0xD0000000  }
0x3: {  	_ = 	snop  }
0x4: {  	_ = 	snop  }
0x5: {  	_ = 	snop  }
0x6: {  	_ = 	snop  }
0x7: {  	_ = 	snop  }
__scs_overlays_trampoline_lowered:
0x8: {  	[smem:$0x3FA3] =	sst s0  }
0x9: {  	[smem:$0x3FA4] =	sst s1  }
0xa: {  	[smem:$0x3FA5] =	sst s2  }
0xb: {  	[smem:$0x3FA6] =	sst s3  }
0xc: {  	[smem:$0x3FA7] =	sst s4  }
0xd: {  	[smem:$0x3FA8] =	sst s5  }
0xe: {  	[smem:$0x3FA9] =	sst s6  }
0xf: {  	[smem:$0x3FAA] =	sst s7  }
0x10: {  	[smem:$0x3FAB] =	sst s8  }
0x11: {  	[smem:$0x3FAC] =	sst s9;
	s0 =	simm.s32 @!p0 $0x0  }
0x12: {  	s1 =	sld [smem:$0x3F92];
	s0 =	simm.s32 @p0 $0x1  }
0x13: {  	[smem:$0x3FAD] =	sst s0;
	s0 =	simm.s32 @!p1 $0x0  }
0x14: {  	s2 =	sld [smem:$0x3F91];
	s0 =	simm.s32 @p1 $0x1  }
0x15: {  	[smem:$0x3FAE] =	sst s0;
	s0 =	simm.s32 @!p2 $0x0  }
0x16: {  	s3 =	sld [smem:$0x3FDB];
	s0 =	simm.s32 @p2 $0x1  }
0x17: {  	s4 =	simm.s32 $0x1BF5;
	[smem:$0x3FB0] =	sst s0  }
0x18: {  	s0 =	sld [smem:$0x3F93];
	_ =	swait.ge [sflag:s4], $0x0  }
0x19: {  	s7 =	sld [smem:$0x3F94]  }
0x1a: {  	s8 =	sadd.s32 $0xFFFFE003, lr  }
0x1b: {  	s9 =	sadd.s32 $0xFFFFFEF7, lr;
	s5 =	simm.s32 $0xFFFFFFFF;
	p2 =	slt.u32 s8, $0xFFFFF086  }
0x1c: {  	p1 =	slt.u32 s9, $0xF7A;
	s5 =	simm.s32 @!p2 $0x0  }
0x1d: {  	s5 =	simm.s32 @p1 $0x1;
	p0 =	seq.s32 s7, s2  }
0x1e: {  	s7 =	smul.u32 @!p0 $0xF7A, s2;
	p2 =	seq.s32 @!p0 s5, $0x0  }
0x1f: {  	s9 =	smul.u32 $0xF7A, s1;
	s8 =	simm.s32 @!p0 $0x1BF5;
	p2 =	por !p2, p0  }
0x20: {  	[sflag:s8] =	ssyncset.s32 @!p0 $0xFFFFF086;
	s6 =	sadd.s32 @!p0 s3, s7;
	s7 =	simm.s32 @!p0 $0x108  }
0x21: {  	s3 =	sadd.s32 s3, s9;
	s6 =	sadd.s32 @!p0 $0x88, s6;
	s7 =	simm.s32 @p2 $0x1082  }
0x22: {  	[simem:s7], [sflag:s8] =	dma.local @!p0 [hbm:s6], $0xF7A  }
0x23: {  	s9 =	sor.u32 $0xD0000000, s2;
	s6 =	simm.s32 $0x108;
	_ =	swait.ge @!p0 [sflag:s8], $0x0  }
0x24: {  	s3 =	sadd.s32 $0x88, s3;
	s6 =	simm.s32 @!p1 $0x1082;
	[sflag:s4] =	ssyncset.s32 $0xFFFFF086  }
0x25: {  	[simem:s6], [sflag:s4] =	dma.local [hbm:s3], $0xF7A  }
0x26: {  	[smem:$0x3F94] =	sst s1;
	(tag) =	ssettag s2;
	_ =	strace s9  }
0x27: {  	s1 =	sld [smem:$0x3FA4]  }
0x28: {  	s2 =	sld [smem:$0x3FA5]  }
0x29: {  	s4 =	sld [smem:$0x3FA7]  }
0x2a: {  	p0 =	seq.s32 s5, $0x0;
	s5 =	sld [smem:$0x3FA8]  }
0x2b: {  	s6 =	sld [smem:$0x3FA9]  }
0x2c: {  	s7 =	sld [smem:$0x3FAA]  }
0x2d: {  	s3 =	simm.s32 $0x108;
	s8 =	sld [smem:$0x3FAB]  }
0x2e: {  	s3 =	simm.s32 @!p0 $0x1082;
	s9 =	sld [smem:$0x3FAC]  }
0x2f: {  	lr =	sadd.s32 s0, s3;
	s0 =	sld [smem:$0x3FA3]  }
0x30: {  	s3 =	sld [smem:$0x3FA6]  }
0x31: {  	[smem:$0x3FAF] =	sst s10  }
0x32: {  	s10 =	sld [smem:$0x3FAD];
	_ =	sdelay $0x3  }
0x33: {  	p0 =	seq.s32 s10, $0x1;
	s10 =	sld [smem:$0x3FAF];
	_ =	sdelay $0x3  }
0x34: {  	[smem:$0x3FAF] =	sst s10  }
0x35: {  	s10 =	sld [smem:$0x3FAE];
	_ =	sdelay $0x3  }
0x36: {  	p1 =	seq.s32 s10, $0x1;
	s10 =	sld [smem:$0x3FAF];
	_ =	sdelay $0x3  }
0x37: {  	[smem:$0x3FAF] =	sst s10  }
0x38: {  	s10 =	sld [smem:$0x3FB0]  }
0x39: {  	_ = 	snop;
	(pc) =	sbr.ind lr, $3  }
0x3a: {  	_ = 	snop  }
0x3b: {  	_ = 	snop  }
0x3c: {  	p2 =	seq.s32 s10, $0x1;
	s10 =	sld [smem:$0x3FAF]  }
0x3d: {  	_ =	shalt  }
0x3e: {  	_ =	shalt  }
0x3f: {  	_ =	shalt  }
0x40: {  	_ =	shalt  }
0x41: {  	_ =	shalt  }
0x42: {  	_ =	shalt  }
0x43: {  	_ =	shalt  }
0x44: {  	_ =	shalt  }
0x45: {  	_ =	shalt  }
0x46: {  	_ =	shalt  }
0x47: {  	_ =	shalt  }
0x48: {  	_ =	shalt  }
0x49: {  	_ =	shalt  }
0x4a: {  	_ =	shalt  }
0x4b: {  	_ =	shalt  }
0x4c: {  	_ =	shalt  }
0x4d: {  	_ =	shalt  }
0x4e: {  	_ =	shalt  }
0x4f: {  	_ =	shalt  }
0x50: {  	_ =	shalt  }
0x51: {  	_ =	shalt  }
0x52: {  	_ =	shalt  }
0x53: {  	_ =	shalt  }
0x54: {  	_ =	shalt  }
0x55: {  	_ =	shalt  }
0x56: {  	_ =	shalt  }
0x57: {  	_ =	shalt  }
0x58: {  	_ =	shalt  }
0x59: {  	_ =	shalt  }
0x5a: {  	_ =	shalt  }
0x5b: {  	_ =	shalt  }
0x5c: {  	_ =	shalt  }
0x5d: {  	_ =	shalt  }
0x5e: {  	_ =	shalt  }
0x5f: {  	_ =	shalt  }
0x60: {  	_ =	shalt  }
0x61: {  	_ =	shalt  }
0x62: {  	_ =	shalt  }
0x63: {  	_ =	shalt  }
0x64: {  	_ =	shalt  }
0x65: {  	_ =	shalt  }
0x66: {  	_ =	shalt  }
0x67: {  	_ =	shalt  }
0x68: {  	_ =	shalt  }
0x69: {  	_ =	shalt  }
0x6a: {  	_ =	shalt  }
0x6b: {  	_ =	shalt  }
0x6c: {  	_ =	shalt  }
0x6d: {  	_ =	shalt  }
0x6e: {  	_ =	shalt  }
0x6f: {  	_ =	shalt  }
0x70: {  	_ =	shalt  }
0x71: {  	_ =	shalt  }
0x72: {  	_ =	shalt  }
0x73: {  	_ =	shalt  }
0x74: {  	_ =	shalt  }
0x75: {  	_ =	shalt  }
0x76: {  	_ =	shalt  }
0x77: {  	_ =	shalt  }
0x78: {  	_ =	shalt  }
0x79: {  	_ =	shalt  }
0x7a: {  	_ =	shalt  }
0x7b: {  	_ =	shalt  }
0x7c: {  	_ =	shalt  }
0x7d: {  	_ =	shalt  }
0x7e: {  	_ =	shalt  }
0x7f: {  	_ =	shalt  }
0x80: {  	_ =	shalt  }
0x81: {  	_ =	shalt  }
0x82: {  	_ =	shalt  }
0x83: {  	_ =	shalt  }
0x84: {  	_ =	shalt  }
0x85: {  	_ =	shalt  }
0x86: {  	_ =	shalt  }
0x87: {  	_ =	shalt  }
.Lfunc_end0:
.L_simem_size_0:
called_computation_lowered:
.L_overlay_start_0:
0x88: {  	s2 =	sld [smem:$0x3FD9]  }
0x89: {  	s3 =	sld [smem:$0x3FFE];
	_ =	sdelay $0x1  }
0x8a: {  	s1 =	srdreg.scid  }
0x8b: {  	s0 =	sand.u32 $0x1, s1  }
0x8c: {  	s18 =	sshll.u32 s0, $0xA;
	s2 =	sadd.s32 s3, s2  }
0x8d: {  	s2 =	sadd.s32 s2, s18  }
0x8e: {  	[smem:$0x3FBB] =	sst s2  }
0x8f: {  	_ = 	snop  }
0x90: {  	s2 =	sld [smem:$0x3FC9]  }
0x91: {  	s19 =	sld [smem:$0x3FC7]  }
0x92: {  	s4 =	sld [smem:$0x3FD0];
	(tm) =	ssettm $0x1  }
0x93: {  	s5 =	sld [smem:$0x3FFB];
	_ =	sdelay $0x3  }
0x94: {  	_ =	strace s5  }
0x95: {  	s5 =	sld [smem:$0x3FFC];
	_ =	sdelay $0x3  }
0x96: {  	_ =	strace s5  }
0x97: {  	s5 =	sld [smem:$0x3FFD];
	_ =	sdelay $0x3  }
0x98: {  	_ =	strace s5  }
0x99: {  	_ =	strace $0x8FFFFFFF  }
0x9a: {  	s20 =	sld [smem:$0x3FDB];
	_ =	sdelay $0x1  }
0x9b: {  	s6 =	simm.s32 $_scs_section_size  }
0x9c: {  	s7 =	simm.s32 $_size__tile_overlayer_lowered;
	s8 =	simm.s32 $_tile_overlayer_lowered  }
0x9d: {  	s23 =	simm.s32 $0x1BFF;
	s22 =	sshll.u32 s8, $0x1;
	s5 =	sadd.s32 s6, s20  }
0x9e: {  	s9 =	simm.s32 $0x0;
	s21 =	sshll.u32 s7, $0x1;
	s7 =	sadd.s32 s22, s5  }
0x9f: {  	[timem:s9], [sflag:s23] =	dma.local [hbm:s7], s21  }
0xa0: {  	_ =	swait.ge [sflag:s23], s21  }
0xa1: {  	s6 =	ssub.s32 $0x0, s21;
	[sflag:s23] =	ssyncset.done $0x0  }
0xa2: {  	[sflag:s23] =	ssyncadd.s32 s6;
	_ =	sdelay $0x1  }
0xa3: {  	s24 =	simm.s32 $0x1B8B  }
0xa4: {  	_ =	swait.ge [sflag:s24], $0x1  }
0xa5: {  	[sflag:s24] =	ssyncset.done $0x0  }
0xa6: {  	s25 =	simm.s32 $0x1B8E;
	[sflag:s24] =	ssyncadd.s32 $0xFFFFFFFF  }
0xa7: {  	s26 =	simm.s32 $execute0_lowered;
	[smem:$0x3FD2] =	sst s25  }
0xa8: {  	s6 =	sshll.u32 s26, $0x1;
	_ =	strace $0x80000046;
	[dreg:$0x1] =	wrdreg $0xFFFFFFFF  }
0xa9: {  	s28 =	simm.s32 $_size_execute0_lowered;
	s5 =	sadd.s32 s5, s6;
	[dreg:$0x0] =	wrdreg $0x0  }
0xaa: {  	s6 =	sshll.u32 s28, $0x1;
	[dreg:$0x2] =	wrdreg s5  }
0xab: {  	[dreg:$0x3] =	wrdreg s6  }
0xac: {  	[dreg:$0x4] =	wrdreg $0xC0  }
0xad: {  	_ =	task [dreg:s9], $0x5FFFF  }
0xae: {  	[dreg:$0x1] =	wrdreg $0xFFFFFFFF  }
0xaf: {  	[dreg:$0x0] =	wrdreg $0x60  }
0xb0: {  	[dreg:$0x2] =	wrdreg s2  }
0xb1: {  	[dreg:$0x3] =	wrdreg s19  }
0xb2: {  	[dreg:$0x4] =	wrdreg s4  }
0xb3: {  	[dreg:$0x5] =	wrdreg $0x9  }
0xb4: {  	_ =	task.clear_ibuf [dreg:s9], $0x6FFFF;
	_ =	strace $0x90000046  }
0xb5: {  	s29 =	simm.s32 $0x9;
	_ =	strace $0x80000048  }
0xb6: {  	_ =	swait.ge [sflag:s29], $0x1  }
0xb7: {  	[sflag:s29] =	ssyncadd.s32 $0xFFFFFFFF  }
0xb8: {  	_ =	strace $0x90000048  }
0xb9: {  	_ =	sfence  }
0xba: {  	s30 =	sld [smem:$0x0];
	_ =	sdelay $0x2  }
0xbb: {  	s31 =	sshll.u32 s1, $0xD;
	s1 =	sshrl.u32 s1, $0x2  }
0xbc: {  	s3 =	sand.u32 $0x4000, s31;
	s1 =	sadd.s32 s1, s30  }
0xbd: {  	s0 =	sor.u32 s3, s0;
	s1 =	sshll.u32 s1, $0x11  }
0xbe: {  	s0 =	sor.u32 s1, s0  }
0xbf: {  	s0 =	sadd.s32 $0x8F2B, s0  }
0xc0: {  	[sflag:s0] =	ssyncadd.remote.s32 $0x1  }
0xc1: {  	_ =	sfence.sel $0xFFFF  }
0xc2: {  	[dreg:$0x0] =	wrdreg $0xFFFFFFFF;
	(pc) =	sbr.abs _section_cstart, $3  }
0xc3: {  	[dreg:$0x1] =	wrdreg $0xFFFFFFFF  }
0xc4: {  	_ =	task.clear_ibuf [dreg:s9], $0x2FFFF;
	_ =	strace $0x9FFFFFFF  }
0xc5: {  	(tm) =	ssettm $0x7FFFFFFF  }
tec
execute0_lowered:
.L_overlay_start_1:
0x0: {  	(tag) =	ssettag $0x1  }
0x1: {  	s0 =	rddreg [dreg:$0x0]  }
0x2: {  	s1 =	rddreg [dreg:$0x1]  }
0x3: {  	s5 =	rddreg [dreg:$0x2];
	s3 =	srdreg.scid;
	s2 =	simm.s32 $0x0  }
0x4: {  	s6 =	stileid.u32;
	s22 =	simm.s32 $0x1;
	s24 =	simm.s32 $0x80  }
0x5: {  	s25 =	simm.s32 $0x400;
	s23 =	simm.s32 $0x0;
	s3 =	sand.u32 $0x1, s3  }
0x6: {  	s6 =	sshll.u32 s6, $0xA;
	s4 =	ssub.s32 $0x2, s3;
	s3 =	sshll.u32 s3, $0x9  }
0x7: {  	[smem:$0x7FF] =	sst s2;
	s7 =	sshrl.u32 s4, $0x1;
	s6 =	sor.u32 s3, s6  }
0x8: {  	_ =	strace $0x80000047;
	s21 =	ssub.s32 s4, s7;
	s31 =	sshrl.u32 s6, $0x3  }
0x9: {  	s5 =	sadd.s32 s5, s6;
	s3 =	sadd.s32 s0, s31;
	s4 =	sadd.s32 s1, s31  }
0xa: {  	s6 =	sadd.s32 $0x10, s5;
	s7 =	sadd.s32 $0x20, s5;
	s8 =	sadd.s32 $0x30, s5  }
0xb: {  	s9 =	sadd.s32 $0x40, s5;
	s10 =	sadd.s32 $0x50, s5;
	s11 =	sadd.s32 $0x60, s5  }
0xc: {  	s12 =	sadd.s32 $0x70, s5;
	s13 =	sadd.s32 $0x4000, s5;
	s14 =	sadd.s32 $0x4010, s5  }
0xd: {  	s15 =	sadd.s32 $0x4020, s5;
	s16 =	sadd.s32 $0x4030, s5;
	s17 =	sadd.s32 $0x4040, s5  }
0xe: {  	s18 =	sadd.s32 $0x4050, s5;
	s19 =	sadd.s32 $0x4060, s5;
	s20 =	sadd.s32 $0x4070, s5  }
0xf: {  	v0 =	vimm.f32 $0.0e+00;
	v1 =	vimm.f32 $1.000000000e+00;
	s21 =	smax.u32 s21, $0x1;
	s0 =	simm.s32 $0x2000;
	s1 =	simm.s32 $0x2200  }
.LBB2_1:
0x10: {  	[tilespmem:s2], [sflag:$0x1] =	stream.linear.gather [hbm4b:s3+s2], $0x200, $0x38;
	[tilespmem:$0x2400] =	vst v63  }
0x11: {  	_ =	swait.ge [sflag:s22], $0x200  }
0x12: {  	[sflag:s22] =	ssyncset.done $0x0  }
0x13: {  	s26 =	simm.s32 $0x200;
	[sflag:s22] =	ssyncadd.s32 $0xFFFFFE00  }
0x14: {  	[tilespmem:s26], [sflag:$0x1] =	stream.linear.gather [hbm4b:s4+s2], $0x200, $0x38;
	[tilespmem:$0x2400] =	vst v63  }
0x15: {  	_ =	swait.ge [sflag:s22], $0x200  }
0x16: {  	s28 =	simm.s32 $0x20;
	s29 =	simm.s32 $0x220;
	[sflag:s22] =	ssyncset.done $0x0  }
0x17: {  	s30 =	simm.s32 $0x0;
	s26 =	simm.s32 $0x1410;
	[sflag:s22] =	ssyncadd.s32 $0xFFFFFE00  }
.LBB2_2:
0x18: {  	v2 =	vld [tilespmem:s29+$0xFFFFFFE0]  }
0x19: {  	v3 =	vld [tilespmem:s28+$0xFFFFFFE0];
	_ =	sdelay $0x3  }
0x1a: {  	v4 =	vadd.s32 $0xA, v2  }
0x1b: {  	vm0 =	veq.s32 v3, $0x0;
	vm10 =	veq.s32 v3, $0x1;
	vm12 =	veq.s32 v3, $0x2  }
0x1c: {  	vm13 =	veq.s32 v3, $0x3;
	vm15 =	veq.s32 v3, $0x4;
	vm5 =	veq.s32 v3, $0x5  }
0x1d: {  	vm7 =	veq.s32 v3, $0x6;
	vm1 =	veq.s32 v4, $0x0;
	vm11 =	veq.s32 v4, $0x1  }
0x1e: {  	vm2 =	veq.s32 v4, $0x2;
	vm3 =	veq.s32 v4, $0x3;
	vm4 =	veq.s32 v4, $0x4  }
0x1f: {  	vm6 =	veq.s32 v4, $0x5;
	vm8 =	veq.s32 v4, $0x6;
	vm0 =	vmor vm0, vm1  }
0x20: {  	vm1 =	vmor vm12, vm2;
	v5 =	vsel vm0, $0x3F800000, v0;
	vm0 =	vmor vm10, vm11  }
0x21: {  	s31 =	sand.u32 $0x1C0, s30;
	vm14 =	vmor vm13, vm3;
	vm9 =	vmor vm7, vm8;
	v6 =	vsel vm0, $0x3F800000, v0;
	[tilespmem:s26+$0xFFFFEFF0] =	vst v5  }
0x22: {  	vm12 =	veq.s32 v3, $0x8;
	vm13 =	veq.s32 v4, $0x8;
	v7 =	vsel vm1, $0x3F800000, v0;
	[tilespmem:s31+$0x600] =	vst v6  }
0x23: {  	vm7 =	veq.s32 v2, $0x0;
	v8 =	vsel vm14, $0x3F800000, v0;
	vm1 =	vmor vm5, vm6;
	[tilespmem:s31+$0x800] =	vst v7  }
0x24: {  	vm8 =	veq.s32 v3, $0xB;
	v23 =	vsel vm9, $0x3F800000, v0;
	v22 =	vsel vm1, $0x3F800000, v0;
	[tilespmem:s31+$0xA00] =	vst v8  }
0x25: {  	vm10 =	veq.s32 v3, $0x7;
	vm11 =	veq.s32 v4, $0x7;
	vm14 =	veq.s32 v3, $0x9;
	[tilespmem:s31+$0xE00] =	vst v22  }
0x26: {  	vm6 =	veq.s32 v3, $0xA;
	vm9 =	veq.s32 v4, $0xB;
	vm0 =	vmor vm15, vm4;
	[tilespmem:s31+$0x1000] =	vst v23  }
0x27: {  	vm1 =	vmor vm12, vm13;
	vm15 =	veq.s32 v4, $0x9;
	v21 =	vsel vm0, $0x3F800000, v0;
	[tilespmem:s31+$0x2200] =	vst v1  }
0x28: {  	vm13 =	veq.s32 v3, $0xD;
	vm0 =	vmor vm10, vm11;
	v25 =	vsel vm1, $0x3F800000, v0;
	[tilespmem:s31+$0xC00] =	vst v21  }
0x29: {  	vm4 =	veq.s32 v4, $0xE;
	vm5 =	vmor vm14, vm15;
	v24 =	vsel vm0, $0x3F800000, v0;
	[tilespmem:s31+$0x1400] =	vst v25  }
0x2a: {  	vm1 =	vmor vm8, vm9;
	vm10 =	veq.s32 v3, $0xC;
	v26 =	vsel vm5, $0x3F800000, v0;
	[tilespmem:s31+$0x1200] =	vst v24  }
0x2b: {  	vm11 =	veq.s32 v4, $0xC;
	vm0 =	vmor vm6, vm7;
	v27 =	vsel vm1, $0x3F800000, v0;
	[tilespmem:s31+$0x1600] =	vst v26  }
0x2c: {  	vm14 =	veq.s32 v4, $0xD;
	vm12 =	vmor vm10, vm11;
	v2 =	vsel vm0, $0x3F800000, v0;
	[tilespmem:s31+$0x1A00] =	vst v27  }
0x2d: {  	vm15 =	veq.s32 v3, $0xE;
	vm0 =	vmor vm13, vm14;
	[tilespmem:s31+$0x1800] =	vst v2;
	v2 =	vsel vm12, $0x3F800000, v0  }
0x2e: {  	vm5 =	vmor vm15, vm4;
	[tilespmem:s31+$0x1C00] =	vst v2;
	v2 =	vsel vm0, $0x3F800000, v0  }
0x2f: {  	[tilespmem:s31+$0x1E00] =	vst v2;
	v2 =	vsel vm5, $0x3F800000, v0  }
0x30: {  	[tilespmem:s31+$0x2000] =	vst v2  }
0x31: {  	v2 =	vld [tilespmem:s29+$0xFFFFFFF0]  }
0x32: {  	v3 =	vld [tilespmem:s28+$0xFFFFFFF0];
	_ =	sdelay $0x3  }
0x33: {  	v28 =	vadd.s32 $0xA, v2  }
0x34: {  	vm6 =	veq.s32 v3, $0x0;
	vm8 =	veq.s32 v3, $0x1;
	vm10 =	veq.s32 v3, $0x2  }
0x35: {  	vm12 =	veq.s32 v3, $0x3;
	vm15 =	veq.s32 v3, $0x4;
	vm5 =	veq.s32 v3, $0x5  }
0x36: {  	vm7 =	veq.s32 v28, $0x0;
	vm9 =	veq.s32 v28, $0x1;
	vm11 =	veq.s32 v28, $0x2  }
0x37: {  	vm13 =	veq.s32 v28, $0x3;
	vm4 =	veq.s32 v28, $0x4;
	vm0 =	vmor vm6, vm7  }
0x38: {  	vm1 =	vmor vm10, vm11;
	vm14 =	vmor vm12, vm13;
	vm6 =	veq.s32 v28, $0x5  }
0x39: {  	vm7 =	veq.s32 v3, $0x6;
	vm10 =	veq.s32 v3, $0x7;
	vm11 =	veq.s32 v28, $0x7  }
0x3a: {  	[tilespmem:s26+$0xE00] =	vst v1;
	vm12 =	veq.s32 v3, $0x8;
	vm13 =	veq.s32 v28, $0x8;
	v29 =	vsel vm0, $0x3F800000, v0  }
0x3b: {  	vm0 =	vmor vm8, vm9;
	v31 =	vsel vm1, $0x3F800000, v0;
	v32 =	vsel vm14, $0x3F800000, v0;
	[tilespmem:s26+$0xFFFFF000] =	vst v29  }
0x3c: {  	vm1 =	vmor vm5, vm6;
	vm8 =	veq.s32 v28, $0x6;
	vm14 =	veq.s32 v3, $0x9;
	[tilespmem:s26+$0xFFFFF400] =	vst v31  }
0x3d: {  	vm6 =	veq.s32 v3, $0xA;
	v30 =	vsel vm0, $0x3F800000, v0;
	vm0 =	vmor vm15, vm4;
	[tilespmem:s26+$0xFFFFF600] =	vst v32  }
0x3e: {  	v34 =	vsel vm1, $0x3F800000, v0;
	vm9 =	vmor vm7, vm8;
	vm1 =	vmor vm12, vm13;
	[tilespmem:s26+$0xFFFFF200] =	vst v30  }
0x3f: {  	vm15 =	veq.s32 v28, $0x9;
	vm7 =	veq.s32 v2, $0x0;
	v33 =	vsel vm0, $0x3F800000, v0;
	[tilespmem:s26+$0xFFFFFA00] =	vst v34  }
0x40: {  	vm8 =	veq.s32 v3, $0xB;
	vm13 =	veq.s32 v3, $0xD;
	v35 =	vsel vm9, $0x3F800000, v0;
	[tilespmem:s26+$0xFFFFF800] =	vst v33  }
0x41: {  	vm4 =	veq.s32 v28, $0xE;
	vm0 =	vmor vm10, vm11;
	v37 =	vsel vm1, $0x3F800000, v0;
	[tilespmem:s26+$0xFFFFFC00] =	vst v35  }
0x42: {  	vm5 =	vmor vm14, vm15;
	vm9 =	veq.s32 v28, $0xB;
	v36 =	vsel vm0, $0x3F800000, v0;
	[tilespmem:s26+$0x0] =	vst v37  }
0x43: {  	vm10 =	veq.s32 v3, $0xC;
	v38 =	vsel vm5, $0x3F800000, v0;
	vm0 =	vmor vm6, vm7;
	[tilespmem:s26+$0xFFFFFE00] =	vst v36  }
0x44: {  	vm11 =	veq.s32 v28, $0xC;
	vm1 =	vmor vm8, vm9;
	[tilespmem:s26+$0x200] =	vst v38;
	v2 =	vsel vm0, $0x3F800000, v0  }
0x45: {  	vm14 =	veq.s32 v28, $0xD;
	vm12 =	vmor vm10, vm11;
	v39 =	vsel vm1, $0x3F800000, v0;
	[tilespmem:s26+$0x400] =	vst v2  }
0x46: {  	vm15 =	veq.s32 v3, $0xE;
	vm0 =	vmor vm13, vm14;
	v2 =	vsel vm12, $0x3F800000, v0;
	[tilespmem:s26+$0x600] =	vst v39  }
0x47: {  	vm5 =	vmor vm15, vm4;
	[tilespmem:s26+$0x800] =	vst v2;
	v2 =	vsel vm0, $0x3F800000, v0  }
0x48: {  	[tilespmem:s26+$0xA00] =	vst v2;
	v2 =	vsel vm5, $0x3F800000, v0  }
0x49: {  	[tilespmem:s26+$0xC00] =	vst v2  }
0x4a: {  	v2 =	vld [tilespmem:s29+$0x0]  }
0x4b: {  	v3 =	vld [tilespmem:s28+$0x0];
	_ =	sdelay $0x3  }
0x4c: {  	v40 =	vadd.s32 $0xA, v2  }
0x4d: {  	vm6 =	veq.s32 v3, $0x0;
	vm8 =	veq.s32 v3, $0x1;
	vm10 =	veq.s32 v3, $0x2  }
0x4e: {  	vm12 =	veq.s32 v3, $0x3;
	vm15 =	veq.s32 v3, $0x4;
	vm5 =	veq.s32 v3, $0x5  }
0x4f: {  	vm7 =	veq.s32 v40, $0x0;
	vm9 =	veq.s32 v40, $0x1;
	vm11 =	veq.s32 v40, $0x2  }
0x50: {  	vm13 =	veq.s32 v40, $0x3;
	vm4 =	veq.s32 v40, $0x4;
	vm0 =	vmor vm6, vm7  }
0x51: {  	vm1 =	vmor vm10, vm11;
	vm14 =	vmor vm12, vm13;
	vm6 =	veq.s32 v40, $0x5  }
0x52: {  	vm7 =	veq.s32 v3, $0x6;
	vm10 =	veq.s32 v3, $0x7;
	vm11 =	veq.s32 v40, $0x7  }
0x53: {  	[tilespmem:s26+$0xE10] =	vst v1;
	vm12 =	veq.s32 v3, $0x8;
	vm13 =	veq.s32 v40, $0x8;
	v41 =	vsel vm0, $0x3F800000, v0  }
0x54: {  	vm0 =	vmor vm8, vm9;
	v43 =	vsel vm1, $0x3F800000, v0;
	v44 =	vsel vm14, $0x3F800000, v0;
	[tilespmem:s26+$0xFFFFF010] =	vst v41  }
0x55: {  	vm1 =	vmor vm5, vm6;
	vm8 =	veq.s32 v40, $0x6;
	vm14 =	veq.s32 v3, $0x9;
	[tilespmem:s26+$0xFFFFF410] =	vst v43  }
0x56: {  	vm5 =	veq.s32 v40, $0xE;
	v42 =	vsel vm0, $0x3F800000, v0;
	vm0 =	vmor vm15, vm4;
	[tilespmem:s26+$0xFFFFF610] =	vst v44  }
0x57: {  	v46 =	vsel vm1, $0x3F800000, v0;
	vm9 =	vmor vm7, vm8;
	vm1 =	vmor vm12, vm13;
	[tilespmem:s26+$0xFFFFF210] =	vst v42  }
0x58: {  	vm15 =	veq.s32 v40, $0x9;
	vm7 =	veq.s32 v3, $0xA;
	v45 =	vsel vm0, $0x3F800000, v0;
	[tilespmem:s26+$0xFFFFFA10] =	vst v46  }
0x59: {  	vm8 =	veq.s32 v2, $0x0;
	vm12 =	veq.s32 v40, $0xC;
	v47 =	vsel vm9, $0x3F800000, v0;
	[tilespmem:s26+$0xFFFFF810] =	vst v45  }
0x5a: {  	vm0 =	vmor vm10, vm11;
	v49 =	vsel vm1, $0x3F800000, v0;
	vm6 =	vmor vm14, vm15;
	[tilespmem:s26+$0xFFFFFC10] =	vst v47  }
0x5b: {  	vm9 =	veq.s32 v3, $0xB;
	vm10 =	veq.s32 v40, $0xB;
	v48 =	vsel vm0, $0x3F800000, v0;
	[tilespmem:s26+$0x10] =	vst v49  }
0x5c: {  	vm11 =	veq.s32 v3, $0xC;
	v50 =	vsel vm6, $0x3F800000, v0;
	vm0 =	vmor vm7, vm8;
	[tilespmem:s26+$0xFFFFFE10] =	vst v48  }
0x5d: {  	vm14 =	veq.s32 v3, $0xD;
	vm1 =	vmor vm9, vm10;
	[tilespmem:s26+$0x210] =	vst v50;
	v2 =	vsel vm0, $0x3F800000, v0  }
0x5e: {  	vm15 =	veq.s32 v40, $0xD;
	vm13 =	vmor vm11, vm12;
	v51 =	vsel vm1, $0x3F800000, v0;
	[tilespmem:s26+$0x410] =	vst v2  }
0x5f: {  	vm4 =	veq.s32 v3, $0xE;
	vm0 =	vmor vm14, vm15;
	v2 =	vsel vm13, $0x3F800000, v0;
	[tilespmem:s26+$0x610] =	vst v51  }
0x60: {  	vm6 =	vmor vm4, vm5;
	[tilespmem:s26+$0x810] =	vst v2;
	v2 =	vsel vm0, $0x3F800000, v0  }
0x61: {  	[tilespmem:s26+$0xA10] =	vst v2;
	v2 =	vsel vm6, $0x3F800000, v0  }
0x62: {  	[tilespmem:s26+$0xC10] =	vst v2  }
0x63: {  	v2 =	vld [tilespmem:s29+$0x10]  }
0x64: {  	v3 =	vld [tilespmem:s28+$0x10];
	_ =	sdelay $0x3  }
0x65: {  	v52 =	vadd.s32 $0xA, v2  }
0x66: {  	vm7 =	veq.s32 v3, $0x0;
	vm9 =	veq.s32 v3, $0x1;
	vm11 =	veq.s32 v3, $0x2  }
0x67: {  	vm13 =	veq.s32 v3, $0x3;
	vm4 =	veq.s32 v3, $0x4;
	vm6 =	veq.s32 v3, $0x5  }
0x68: {  	vm8 =	veq.s32 v52, $0x0;
	vm10 =	veq.s32 v52, $0x1;
	vm12 =	veq.s32 v52, $0x2  }
0x69: {  	vm14 =	veq.s32 v52, $0x3;
	vm5 =	veq.s32 v52, $0x4;
	vm0 =	vmor vm7, vm8  }
0x6a: {  	vm1 =	vmor vm11, vm12;
	vm15 =	vmor vm13, vm14;
	vm7 =	veq.s32 v52, $0x5  }
0x6b: {  	vm8 =	veq.s32 v3, $0x6;
	vm11 =	veq.s32 v3, $0x7;
	vm12 =	veq.s32 v52, $0x7  }
0x6c: {  	[tilespmem:s26+$0xE20] =	vst v1;
	vm13 =	veq.s32 v3, $0x8;
	v53 =	vsel vm0, $0x3F800000, v0;
	vm0 =	vmor vm9, vm10  }
0x6d: {  	v55 =	vsel vm1, $0x3F800000, v0;
	v56 =	vsel vm15, $0x3F800000, v0;
	vm1 =	vmor vm6, vm7;
	[tilespmem:s26+$0xFFFFF020] =	vst v53  }
0x6e: {  	vm9 =	veq.s32 v52, $0x6;
	vm6 =	veq.s32 v52, $0x9;
	vm7 =	veq.s32 v52, $0xB;
	[tilespmem:s26+$0xFFFFF420] =	vst v55  }
0x6f: {  	v54 =	vsel vm0, $0x3F800000, v0;
	vm0 =	vmor vm4, vm5;
	v58 =	vsel vm1, $0x3F800000, v0;
	[tilespmem:s26+$0xFFFFF620] =	vst v56  }
0x70: {  	vm10 =	vmor vm8, vm9;
	vm4 =	veq.s32 v52, $0x8;
	vm5 =	veq.s32 v3, $0x9;
	[tilespmem:s26+$0xFFFFF220] =	vst v54  }
0x71: {  	vm1 =	vmor vm11, vm12;
	vm8 =	veq.s32 v3, $0xC;
	v57 =	vsel vm0, $0x3F800000, v0;
	[tilespmem:s26+$0xFFFFFA20] =	vst v58  }
0x72: {  	vm9 =	veq.s32 v52, $0xC;
	vm11 =	veq.s32 v3, $0xD;
	v59 =	vsel vm10, $0x3F800000, v0;
	[tilespmem:s26+$0xFFFFF820] =	vst v57  }
0x73: {  	vm12 =	veq.s32 v52, $0xD;
	vm14 =	vmor vm13, vm4;
	v60 =	vsel vm1, $0x3F800000, v0;
	[tilespmem:s26+$0xFFFFFC20] =	vst v59  }
0x74: {  	vm15 =	vmor vm5, vm6;
	vm4 =	veq.s32 v2, $0x0;
	v61 =	vsel vm14, $0x3F800000, v0;
	[tilespmem:s26+$0xFFFFFE20] =	vst v60  }
0x75: {  	vm5 =	veq.s32 v3, $0xA;
	vm10 =	vmor vm8, vm9;
	v2 =	vsel vm15, $0x3F800000, v0;
	[tilespmem:s26+$0x20] =	vst v61  }
0x76: {  	p0 =	sne.s32 s30, $0x1C0;
	vm6 =	veq.s32 v3, $0xB;
	vm0 =	vmor vm5, vm4;
	v63 =	vsel vm10, $0x3F800000, v0;
	[tilespmem:s26+$0x220] =	vst v2  }
.Ltmp0:
0x77: {  	vm13 =	veq.s32 v3, $0xE;
	vm1 =	vmor vm6, vm7;
	v62 =	vsel vm0, $0x3F800000, v0;
	[tilespmem:s26+$0x820] =	vst v63;
	(pc) =	sbr.rel @p0 .LBB2_2-.Ltmp0, $4  }
0x78: {  	vm14 =	veq.s32 v52, $0xE;
	v2 =	vsel vm1, $0x3F800000, v0;
	vm0 =	vmor vm11, vm12;
	[tilespmem:s26+$0x420] =	vst v62  }
0x79: {  	vm15 =	vmor vm13, vm14;
	[tilespmem:s26+$0x620] =	vst v2;
	v2 =	vsel vm0, $0x3F800000, v0  }
0x7a: {  	s30 =	sadd.s32 $0x40, s30;
	[tilespmem:s26+$0xA20] =	vst v2;
	v2 =	vsel vm15, $0x3F800000, v0  }
0x7b: {  	s28 =	sadd.s32 $0x40, s28;
	s29 =	sadd.s32 $0x40, s29;
	[tilespmem:s26+$0xC20] =	vst v2;
	s26 =	sadd.s32 $0x40, s26  }
0x7c: {  	[hbm4b:s5+s24] =	stream.strided.scatter [tilespmem:s25], [sflag:$0x1], $0x200, s25, s24, $0x38;
	[tilespmem:$0x2400] =	vst v63  }
0x7d: {  	_ =	swait.ge [sflag:s22], $0x200  }
0x7e: {  	[sflag:s22] =	ssyncset.done $0x0  }
0x7f: {  	s26 =	simm.s32 $0x600;
	[sflag:s22] =	ssyncadd.s32 $0xFFFFFE00  }
0x80: {  	[hbm4b:s6+s24] =	stream.strided.scatter [tilespmem:s26], [sflag:$0x1], $0x200, s25, s24, $0x38;
	[tilespmem:$0x2400] =	vst v63  }
0x81: {  	_ =	swait.ge [sflag:s22], $0x200  }
0x82: {  	[sflag:s22] =	ssyncset.done $0x0  }
0x83: {  	s28 =	simm.s32 $0x800;
	[sflag:s22] =	ssyncadd.s32 $0xFFFFFE00  }
0x84: {  	[hbm4b:s7+s24] =	stream.strided.scatter [tilespmem:s28], [sflag:$0x1], $0x200, s25, s24, $0x38;
	[tilespmem:$0x2400] =	vst v63  }
0x85: {  	_ =	swait.ge [sflag:s22], $0x200  }
0x86: {  	[sflag:s22] =	ssyncset.done $0x0  }
0x87: {  	s29 =	simm.s32 $0xA00;
	[sflag:s22] =	ssyncadd.s32 $0xFFFFFE00  }
0x88: {  	[hbm4b:s8+s24] =	stream.strided.scatter [tilespmem:s29], [sflag:$0x1], $0x200, s25, s24, $0x38;
	[tilespmem:$0x2400] =	vst v63  }
0x89: {  	_ =	swait.ge [sflag:s22], $0x200  }
0x8a: {  	[sflag:s22] =	ssyncset.done $0x0  }
0x8b: {  	s30 =	simm.s32 $0xC00;
	[sflag:s22] =	ssyncadd.s32 $0xFFFFFE00  }
0x8c: {  	[hbm4b:s9+s24] =	stream.strided.scatter [tilespmem:s30], [sflag:$0x1], $0x200, s25, s24, $0x38;
	[tilespmem:$0x2400] =	vst v63  }
0x8d: {  	_ =	swait.ge [sflag:s22], $0x200  }
0x8e: {  	[sflag:s22] =	ssyncset.done $0x0  }
0x8f: {  	s31 =	simm.s32 $0xE00;
	[sflag:s22] =	ssyncadd.s32 $0xFFFFFE00  }
0x90: {  	[hbm4b:s10+s24] =	stream.strided.scatter [tilespmem:s31], [sflag:$0x1], $0x200, s25, s24, $0x38;
	[tilespmem:$0x2400] =	vst v63  }
0x91: {  	_ =	swait.ge [sflag:s22], $0x200  }
0x92: {  	[sflag:s22] =	ssyncset.done $0x0  }
0x93: {  	s28 =	simm.s32 $0x1000;
	[sflag:s22] =	ssyncadd.s32 $0xFFFFFE00  }
0x94: {  	[hbm4b:s11+s24] =	stream.strided.scatter [tilespmem:s28], [sflag:$0x1], $0x200, s25, s24, $0x38;
	[tilespmem:$0x2400] =	vst v63  }
0x95: {  	_ =	swait.ge [sflag:s22], $0x200  }
0x96: {  	[sflag:s22] =	ssyncset.done $0x0  }
0x97: {  	s29 =	simm.s32 $0x1200;
	[sflag:s22] =	ssyncadd.s32 $0xFFFFFE00  }
0x98: {  	[hbm4b:s12+s24] =	stream.strided.scatter [tilespmem:s29], [sflag:$0x1], $0x200, s25, s24, $0x38;
	[tilespmem:$0x2400] =	vst v63  }
0x99: {  	_ =	swait.ge [sflag:s22], $0x200  }
0x9a: {  	[sflag:s22] =	ssyncset.done $0x0  }
0x9b: {  	s30 =	simm.s32 $0x1400;
	[sflag:s22] =	ssyncadd.s32 $0xFFFFFE00  }
0x9c: {  	[hbm4b:s13+s24] =	stream.strided.scatter [tilespmem:s30], [sflag:$0x1], $0x200, s25, s24, $0x38;
	[tilespmem:$0x2400] =	vst v63  }
0x9d: {  	_ =	swait.ge [sflag:s22], $0x200  }
0x9e: {  	[sflag:s22] =	ssyncset.done $0x0  }
0x9f: {  	s31 =	simm.s32 $0x1600;
	[sflag:s22] =	ssyncadd.s32 $0xFFFFFE00  }
0xa0: {  	[hbm4b:s14+s24] =	stream.strided.scatter [tilespmem:s31], [sflag:$0x1], $0x200, s25, s24, $0x38;
	[tilespmem:$0x2400] =	vst v63  }
0xa1: {  	_ =	swait.ge [sflag:s22], $0x200  }
0xa2: {  	[sflag:s22] =	ssyncset.done $0x0  }
0xa3: {  	s28 =	simm.s32 $0x1800;
	[sflag:s22] =	ssyncadd.s32 $0xFFFFFE00  }
0xa4: {  	[hbm4b:s15+s24] =	stream.strided.scatter [tilespmem:s28], [sflag:$0x1], $0x200, s25, s24, $0x38;
	[tilespmem:$0x2400] =	vst v63  }
0xa5: {  	_ =	swait.ge [sflag:s22], $0x200  }
0xa6: {  	[sflag:s22] =	ssyncset.done $0x0  }
0xa7: {  	s29 =	simm.s32 $0x1A00;
	[sflag:s22] =	ssyncadd.s32 $0xFFFFFE00  }
0xa8: {  	[hbm4b:s16+s24] =	stream.strided.scatter [tilespmem:s29], [sflag:$0x1], $0x200, s25, s24, $0x38;
	[tilespmem:$0x2400] =	vst v63  }
0xa9: {  	_ =	swait.ge [sflag:s22], $0x200  }
0xaa: {  	[sflag:s22] =	ssyncset.done $0x0  }
0xab: {  	s30 =	simm.s32 $0x1C00;
	[sflag:s22] =	ssyncadd.s32 $0xFFFFFE00  }
0xac: {  	[hbm4b:s17+s24] =	stream.strided.scatter [tilespmem:s30], [sflag:$0x1], $0x200, s25, s24, $0x38;
	[tilespmem:$0x2400] =	vst v63  }
0xad: {  	_ =	swait.ge [sflag:s22], $0x200  }
0xae: {  	[sflag:s22] =	ssyncset.done $0x0  }
0xaf: {  	s31 =	simm.s32 $0x1E00;
	[sflag:s22] =	ssyncadd.s32 $0xFFFFFE00  }
0xb0: {  	[hbm4b:s18+s24] =	stream.strided.scatter [tilespmem:s31], [sflag:$0x1], $0x200, s25, s24, $0x38;
	[tilespmem:$0x2400] =	vst v63  }
0xb1: {  	_ =	swait.ge [sflag:s22], $0x200  }
0xb2: {  	[sflag:s22] =	ssyncset.done $0x0  }
0xb3: {  	[sflag:s22] =	ssyncadd.s32 $0xFFFFFE00  }
0xb4: {  	[hbm4b:s19+s24] =	stream.strided.scatter [tilespmem:s0], [sflag:$0x1], $0x200, s25, s24, $0x38;
	[tilespmem:$0x2400] =	vst v63  }
0xb5: {  	s23 =	sadd.s32 $0x1, s23;
	_ =	swait.ge [sflag:s22], $0x200  }
0xb6: {  	p0 =	sne.s32 s23, s21;
	[sflag:s22] =	ssyncset.done $0x0  }
.Ltmp1:
0xb7: {  	[sflag:s22] =	ssyncadd.s32 $0xFFFFFE00;
	(pc) =	sbr.rel @p0 .LBB2_1-.Ltmp1, $4  }
0xb8: {  	[hbm4b:s20+s24] =	stream.strided.scatter [tilespmem:s1], [sflag:$0x1], $0x200, s25, s24, $0x38;
	[tilespmem:$0x2400] =	vst v63  }
0xb9: {  	_ =	swait.ge [sflag:s22], $0x200  }
0xba: {  	[sflag:s22] =	ssyncset.done $0x0  }
0xbb: {  	[sflag:s22] =	ssyncadd.s32 $0xFFFFFE00  }
0xbc: {  	_ =	sfence.sel $0x180000  }
0xbd: {  	[bflag:$0x0] =	sbarrier.arrive $0xFFFF  }
0xbe: {  	_ =	strace $0x90000047  }
0xbf: {  	s0 =	stileid.u32;
	[bflag:$0x2] =	sbarrier.arrive $0xFFFF  }
0xc0: {  	p0 =	sne.s32 s0, $0x0;
	s0 =	rddreg [dreg:$0x3]  }
0xc1: {  	s0 =	sadd.s32 @!p0 $0x100000, s0  }
0xc2: {  	[sflag:s0] =	ssyncadd.tile.s32 @!p0 $0x1;
	_ =	shalt  }
.Lfunc_end2:
_tile_overlayer_lowered:
.L_overlay_start_2:
0xc3: {  	(tag) =	ssettag $0x2  }
0xc4: {  	s0 =	rddreg [dreg:$0x0];
	s2 =	stileid.u32  }
0xc5: {  	s1 =	rddreg [dreg:$0x1];
	p0 =	sne.s32 s2, $0x0  }
0xc6: {  	s3 =	rddreg [dreg:$0x2];
	[bflag:$0x3] =	sbarrier.arrive $0xFFFF;
	s2 =	simm.s32 @!p0 $0x1C01  }
0xc7: {  	[timem:s3], [sflag:s2] =	dma.local @!p0 [hbm:s0], s1  }
0xc8: {  	s0 =	simm.s32 @!p0 $0x1  }
0xc9: {  	_ =	swait.ge @!p0 [sflag:s0], s1  }
0xca: {  	s1 =	ssub.s32 @!p0 $0x0, s1;
	[sflag:s0] =	ssyncset.done @!p0 $0x0  }
0xcb: {  	[sflag:s0] =	ssyncadd.s32 @!p0 s1  }
0xcc: {  	[bflag:$0x3] =	sbarrier.arrive $0xFFFF  }
0xcd: {  	_ =	shalt  }

</sc_bundles>
